<compile_context>
chip_gen: v7x
topology: tpu7x:2x2x1
jax: 0.10.2.dev20260603
libtpu: 0.0.44.dev20260713+nightly
codegen_flags: <defaults>
</compile_context>

<pallas_src>
import functools

import jax
import jax.numpy as jnp
from jax import lax
from jax.experimental import pallas as pl
from jax.experimental.pallas import tpu as pltpu
from jax.experimental.pallas import tpu_sc as plsc

B = 4096
N_CAT = 26
CARD = 1000
H = 768
PL_ = 2
N_NUM = 1
D = H * PL_
K_ALL = N_CAT * PL_ + PL_
NW = 32
WINB = 16
NBUF = 4
NWIN = B // WINB
T_TASKS = N_CAT * NWIN // NW
IPW = T_TASKS * WINB


def _num_body(o_in_ref, x_ref, w_ref, b_ref, o_ref):
    del o_in_ref
    for p in range(PL_):
        o_ref[p] = x_ref[...] * w_ref[p:p + 1] + b_ref[p:p + 1]


def _num_fill(out_sc, x_num, W_num, b_num):
    BLK = 512
    return pl.pallas_call(
        _num_body,
        grid=(B // BLK,),
        in_specs=[
            pl.BlockSpec((1, 8, H), lambda i: (0, 0, 0)),
            pl.BlockSpec((BLK, N_NUM), lambda i: (i, 0)),
            pl.BlockSpec((PL_, H), lambda i: (0, 0)),
            pl.BlockSpec((PL_, H), lambda i: (0, 0)),
        ],
        out_specs=pl.BlockSpec((PL_, BLK, H), lambda i: (0, i, 0)),
        out_shape=jax.ShapeDtypeStruct((K_ALL, B, H), jnp.float32),
        input_output_aliases={0: 0},
    )(out_sc, x_num, W_num.reshape(PL_, H), b_num.reshape(PL_, H))


def _sc_gather(tables_flat, idx_flat):
    mesh = plsc.VectorSubcoreMesh(core_axis_name="c", subcore_axis_name="s")

    @functools.partial(
        pl.kernel,
        out_type=jax.ShapeDtypeStruct((K_ALL, B, H), jnp.float32),
        mesh=mesh,
        scratch_types=(
            [pltpu.VMEM((IPW,), jnp.int32)]
            + [pltpu.VMEM((WINB, D), jnp.float32)] * NBUF
            + [pltpu.SemaphoreType.DMA] * (2 * NBUF)
        ),
    )
    def kern(tables_hbm, idx_hbm, out_hbm, idx_v, *scratch):
        bufs = scratch[:NBUF]
        gsems = scratch[NBUF:2 * NBUF]
        wsems = scratch[2 * NBUF:]
        wid = lax.axis_index("s") * 2 + lax.axis_index("c")
        pltpu.sync_copy(idx_hbm.at[pl.ds(wid * IPW, IPW)], idx_v)
        base = wid * T_TASKS

        def gather_copy(g, slot):
            return pltpu.make_async_copy(
                tables_hbm.at[idx_v.at[pl.ds(g * WINB, WINB)]],
                bufs[slot], gsems[slot])

        def write_copies(g, slot):
            t = base + g
            f = t // NWIN
            b0 = (t % NWIN) * WINB
            return [
                pltpu.make_async_copy(
                    bufs[slot].at[:, pl.ds(p * H, H)],
                    out_hbm.at[PL_ + PL_ * f + p].at[pl.ds(b0, WINB)],
                    wsems[slot])
                for p in range(PL_)
            ]

        PF = NBUF // 2
        for g0 in range(PF):
            gather_copy(g0, g0).start()

        @pl.loop(0, T_TASKS // NBUF)
        def _(h):
            for s in range(NBUF):
                g = h * NBUF + s
                sp = (s + PF) % NBUF

                gather_copy(g, s).wait()
                for c in write_copies(g, s):
                    c.start()

                @pl.when((g + PF < T_TASKS) & (g >= PF))
                def _(g=g, sp=sp):
                    for c in write_copies(g - PF, sp):
                        c.wait()

                @pl.when(g + PF < T_TASKS)
                def _(g=g, sp=sp):
                    gather_copy(g + PF, sp).start()

        for g in range(T_TASKS - NBUF, T_TASKS):
            for c in write_copies(g, g % NBUF):
                c.wait()

    return kern(tables_flat, idx_flat)


def kernel(x_num, x_cat, W_num, b_num, tables):
    tables_flat = tables.reshape(N_CAT * CARD, D)
    idx_flat = (x_cat.T
                + (jnp.arange(N_CAT, dtype=jnp.int32) * CARD)[:, None]
                ).reshape(-1)
    out_sc = _sc_gather(tables_flat, idx_flat)
    out = _num_fill(out_sc, x_num, W_num, b_num)
    return out.transpose(1, 0, 2)

# --- scband reference (transcript-rebuilt; emitter-appended) ---
"""Pipeline reference for scband-conditional-prompt-56599079027023 (READ-ONLY COPY).

The authoritative reference and input builder live on the scoring server;
editing this copy changes nothing except your own understanding.
"""

import jax, jax.numpy as jnp
import numpy as np

B = 4096
N_CAT = 26
CARD = 1000
H = 768
PL = 2
N_NUM = 1


def setup_inputs(seed: int = 0) -> dict:
    key = jax.random.key(seed)
    k1, k2, k3, k4 = jax.random.split(key, 4)
    x_num = jax.random.normal(k1, (B, N_NUM), dtype=jnp.float32)
    x_cat = jax.random.randint(k2, (B, N_CAT), 0, CARD, dtype=jnp.int32)
    W_num = jax.random.normal(k3, (N_NUM, H * PL), dtype=jnp.float32) * 0.02
    b_num = jnp.zeros((H * PL,), dtype=jnp.float32)
    tables = jax.random.normal(k4, (N_CAT, CARD, H * PL), dtype=jnp.float32) * 0.02
    return {"x_num": x_num, "x_cat": x_cat, "W_num": W_num, "b_num": b_num, "tables": tables}


def reference(x_num, x_cat, W_num, b_num, tables):
    # Numerical prompt: Linear then reshape [B, H*PL] -> [B, PL*N_NUM, H]
    num_embeds = (x_num @ W_num + b_num).reshape(B, PL * N_NUM, H)
    # Categorical prompts: per-field embedding gather.
    # tables: [N_CAT, CARD, H*PL]; x_cat: [B, N_CAT]
    gathered = tables[jnp.arange(N_CAT)[None, :], x_cat]  # [B, N_CAT, H*PL]
    # each field reshaped to [B, PL, H] then concatenated along dim 1 (field-major order)
    cat_embeds = gathered.reshape(B, N_CAT, PL, H).reshape(B, N_CAT * PL, H)
    return jnp.concatenate([num_embeds, cat_embeds], axis=1)

if __name__ == "__main__":
    import jax
    _d = setup_inputs()
    print(jax.jit(kernel)(*tuple(_d.values())))

</pallas_src>

<mosaic_0001>
#map = affine_map<(d0, d1) -> (0, 0)>
#map1 = affine_map<(d0, d1) -> (0)>
#map2 = affine_map<(d0, d1) -> (0, 0, 0)>
module attributes {stable_mosaic.version = 14 : i64} {
  func.func @kern(%arg0: i32, %arg1: i32, %arg2: memref<26000x1536xf32, #tpu.memory_space<hbm>>, %arg3: memref<106496xi32, #tpu.memory_space<hbm>>, %arg4: memref<54x4096x768xf32, #tpu.memory_space<hbm>>, %arg5: memref<3328xi32, #tpu.memory_space<vmem>>, %arg6: memref<16x1536xf32, #tpu.memory_space<vmem>>, %arg7: memref<16x1536xf32, #tpu.memory_space<vmem>>, %arg8: memref<16x1536xf32, #tpu.memory_space<vmem>>, %arg9: memref<16x1536xf32, #tpu.memory_space<vmem>>, %arg10: memref<!tpu.dma_semaphore, #tpu.memory_space<semaphore_mem>>, %arg11: memref<!tpu.dma_semaphore, #tpu.memory_space<semaphore_mem>>, %arg12: memref<!tpu.dma_semaphore, #tpu.memory_space<semaphore_mem>>, %arg13: memref<!tpu.dma_semaphore, #tpu.memory_space<semaphore_mem>>, %arg14: memref<!tpu.dma_semaphore, #tpu.memory_space<semaphore_mem>>, %arg15: memref<!tpu.dma_semaphore, #tpu.memory_space<semaphore_mem>>, %arg16: memref<!tpu.dma_semaphore, #tpu.memory_space<semaphore_mem>>, %arg17: memref<!tpu.dma_semaphore, #tpu.memory_space<semaphore_mem>>) attributes {dimension_semantics = [#tpu.dimension_semantics<core_parallel>, #tpu.dimension_semantics<subcore_parallel>], iteration_bounds = array<i64: 2, 16>, scalar_prefetch = 0 : i64, scratch_operands = 13 : i64, tpu.core_type = #tpu.core_type<sc_vector_subcore>, window_params = [{transform_indices = #map}, {transform_indices = #map1}, {transform_indices = #map2}]} {
    %mul3A = arith.constant 2 : i32
    %mul3A_0 = arith.muli %arg1, %mul3A : i32
    %add3A = arith.addi %mul3A_0, %arg0 : i32
    %mul3A_1 = arith.constant 3328 : i32
    %mul3A_2 = arith.muli %add3A, %mul3A_1 : i32
    "tpu.region"() ({
      %run_scoped3A = tpu.sem_alloc : memref<!tpu.dma_semaphore, #tpu.memory_space<semaphore_mem>>
      %dma_start3A_375 = tpu.memref_slice %arg3[%mul3A_2] : memref<106496xi32, #tpu.memory_space<hbm>> -> memref<3328xi32, #tpu.memory_space<hbm>>
      %dma_start3A_376 = tpu.memref_slice %arg3[%mul3A_2] : memref<106496xi32, #tpu.memory_space<hbm>> -> memref<3328xi32, #tpu.memory_space<hbm>>
      tpu.enqueue_dma source(%dma_start3A_376 : memref<3328xi32, #tpu.memory_space<hbm>>) target(%arg5 : memref<3328xi32, #tpu.memory_space<vmem>>) target_semaphore(%run_scoped3A : memref<!tpu.dma_semaphore, #tpu.memory_space<semaphore_mem>>)
      %dma_wait3A_377 = tpu.memref_slice %arg3[%mul3A_2] : memref<106496xi32, #tpu.memory_space<hbm>> -> memref<3328xi32, #tpu.memory_space<hbm>>
      %dma_wait3A_378 = tpu.memref_slice %arg3[%mul3A_2] : memref<106496xi32, #tpu.memory_space<hbm>> -> memref<3328xi32, #tpu.memory_space<hbm>>
      tpu.wait_dma2 semaphore(%run_scoped3A : memref<!tpu.dma_semaphore, #tpu.memory_space<semaphore_mem>>) src(%dma_wait3A_378 : memref<3328xi32, #tpu.memory_space<hbm>>) dst(%arg5 : memref<3328xi32, #tpu.memory_space<vmem>>)
      tpu.yield
    }) : () -> ()
    %mul3A_3 = arith.constant 208 : i32
    %mul3A_4 = arith.muli %add3A, %mul3A_3 : i32
    %dma_start3A = arith.constant 0 : i32
    %dma_start3A_5 = tpu.memref_slice %arg5[%dma_start3A] : memref<3328xi32, #tpu.memory_space<vmem>> -> memref<16xi32, #tpu.memory_space<vmem>>
    %dma_start3A_6 = arith.constant 0 : i32
    %dma_start3A_7 = arith.constant 0 : i32
    %dma_start3A_8 = tpu.memref_slice %arg2[%dma_start3A_6, %dma_start3A_7] : memref<26000x1536xf32, #tpu.memory_space<hbm>> -> memref<26000x1536xf32, #tpu.memory_space<hbm>>
    tpu.enqueue_indirect_dma source(%dma_start3A_8 : memref<26000x1536xf32, #tpu.memory_space<hbm>>) target(%arg6 : memref<16x1536xf32, #tpu.memory_space<vmem>>) offsets(%dma_start3A_5 : memref<16xi32, #tpu.memory_space<vmem>>) semaphore(%arg10 : memref<!tpu.dma_semaphore, #tpu.memory_space<semaphore_mem>>)
    %dma_start3A_9 = arith.constant 16 : i32
    %dma_start3A_10 = tpu.memref_slice %arg5[%dma_start3A_9] : memref<3328xi32, #tpu.memory_space<vmem>> -> memref<16xi32, #tpu.memory_space<vmem>>
    %dma_start3A_11 = arith.constant 0 : i32
    %dma_start3A_12 = arith.constant 0 : i32
    %dma_start3A_13 = tpu.memref_slice %arg2[%dma_start3A_11, %dma_start3A_12] : memref<26000x1536xf32, #tpu.memory_space<hbm>> -> memref<26000x1536xf32, #tpu.memory_space<hbm>>
    tpu.enqueue_indirect_dma source(%dma_start3A_13 : memref<26000x1536xf32, #tpu.memory_space<hbm>>) target(%arg7 : memref<16x1536xf32, #tpu.memory_space<vmem>>) offsets(%dma_start3A_10 : memref<16xi32, #tpu.memory_space<vmem>>) semaphore(%arg11 : memref<!tpu.dma_semaphore, #tpu.memory_space<semaphore_mem>>)
    %scan3A = arith.constant 0 : i32
    %scan3A_14 = arith.constant 52 : i32
    %scan3A_15 = arith.addi %scan3A, %scan3A_14 : i32
    %scan3A_16 = arith.constant 1 : i32
    scf.for %scan3A_375 = %scan3A to %scan3A_15 step %scan3A_16  : i32 {
      %mul3A_376 = arith.constant 1 : i32
      %mul3A_377 = arith.muli %scan3A_375, %mul3A_376 : i32
      %add3A_378 = arith.constant 0 : i32
      %add3A_379 = arith.addi %add3A_378, %mul3A_377 : i32
      %mul3A_380 = arith.constant 4 : i32
      %mul3A_381 = arith.muli %add3A_379, %mul3A_380 : i32
      %add3A_382 = arith.constant 0 : i32
      %add3A_383 = arith.addi %mul3A_381, %add3A_382 : i32
      %mul3A_384 = arith.constant 16 : i32
      %mul3A_385 = arith.muli %add3A_383, %mul3A_384 : i32
      %dma_wait3A_386 = tpu.memref_slice %arg5[%mul3A_385] : memref<3328xi32, #tpu.memory_space<vmem>> -> memref<16xi32, #tpu.memory_space<vmem>>
      %dma_wait3A_387 = arith.constant 0 : i32
      %dma_wait3A_388 = arith.constant 0 : i32
      %dma_wait3A_389 = tpu.memref_slice %arg2[%dma_wait3A_387, %dma_wait3A_388] : memref<26000x1536xf32, #tpu.memory_space<hbm>> -> memref<26000x1536xf32, #tpu.memory_space<hbm>>
      tpu.wait_indirect_dma semaphore(%arg10 : memref<!tpu.dma_semaphore, #tpu.memory_space<semaphore_mem>>) src(%dma_wait3A_389 : memref<26000x1536xf32, #tpu.memory_space<hbm>>) dst(%arg6 : memref<16x1536xf32, #tpu.memory_space<vmem>>)
      %add3A_390 = arith.addi %mul3A_4, %add3A_383 : i32
      %jit3A_391 = arith.constant 256 : i32
      %div3A_392 = arith.divsi %add3A_390, %jit3A_391 : i32
      %sign3A_393 = arith.constant 0 : i32
      %sign3A_394 = arith.cmpi sgt, %add3A_390, %sign3A_393 : i32
      %sign3A_395 = arith.extui %sign3A_394 : i1 to i32
      %sign3A_396 = arith.constant 0 : i32
      %sign3A_397 = arith.cmpi slt, %add3A_390, %sign3A_396 : i32
      %sign3A_398 = arith.extui %sign3A_397 : i1 to i32
      %sign3A_399 = arith.subi %sign3A_395, %sign3A_398 : i32
      %sign3A_400 = arith.constant 0 : i32
      %sign3A_401 = arith.cmpi sgt, %jit3A_391, %sign3A_400 : i32
      %sign3A_402 = arith.extui %sign3A_401 : i1 to i32
      %sign3A_403 = arith.constant 0 : i32
      %sign3A_404 = arith.cmpi slt, %jit3A_391, %sign3A_403 : i32
      %sign3A_405 = arith.extui %sign3A_404 : i1 to i32
      %sign3A_406 = arith.subi %sign3A_402, %sign3A_405 : i32
      %ne3A_407 = arith.cmpi ne, %sign3A_399, %sign3A_406 : i32
      %rem3A_408 = arith.remsi %add3A_390, %jit3A_391 : i32
      %ne3A_409 = arith.constant 0 : i32
      %ne3A_410 = arith.cmpi ne, %rem3A_408, %ne3A_409 : i32
      %and3A_411 = arith.andi %ne3A_407, %ne3A_410 : i1
      %sub3A_412 = arith.constant 1 : i32
      %sub3A_413 = arith.subi %div3A_392, %sub3A_412 : i32
      %select_n3A_414 = arith.select %and3A_411, %sub3A_413, %div3A_392 : i32
      %jit3A_415 = arith.constant 256 : i32
      %eq3A_416 = arith.constant 0 : i32
      %eq3A_417 = arith.cmpi eq, %jit3A_415, %eq3A_416 : i32
      %jit3A_418 = arith.constant 1 : i32
      %select_n3A_419 = arith.select %eq3A_417, %jit3A_418, %jit3A_415 : i32
      %rem3A_420 = arith.remsi %add3A_390, %select_n3A_419 : i32
      %ne3A_421 = arith.constant 0 : i32
      %ne3A_422 = arith.cmpi ne, %rem3A_420, %ne3A_421 : i32
      %lt3A_423 = arith.constant 0 : i32
      %lt3A_424 = arith.cmpi slt, %rem3A_420, %lt3A_423 : i32
      %lt3A_425 = arith.constant 0 : i32
      %lt3A_426 = arith.cmpi slt, %select_n3A_419, %lt3A_425 : i32
      %ne3A_427 = arith.xori %lt3A_424, %lt3A_426 : i1
      %and3A_428 = arith.andi %ne3A_427, %ne3A_422 : i1
      %add3A_429 = arith.addi %rem3A_420, %select_n3A_419 : i32
      %select_n3A_430 = arith.select %and3A_428, %add3A_429, %rem3A_420 : i32
      %mul3A_431 = arith.constant 16 : i32
      %mul3A_432 = arith.muli %select_n3A_430, %mul3A_431 : i32
      %mul3A_433 = arith.constant 2 : i32
      %mul3A_434 = arith.muli %mul3A_433, %select_n3A_414 : i32
      %add3A_435 = arith.constant 2 : i32
      %add3A_436 = arith.addi %add3A_435, %mul3A_434 : i32
      %add3A_437 = arith.constant 0 : i32
      %add3A_438 = arith.addi %add3A_436, %add3A_437 : i32
      %mul3A_439 = arith.constant 2 : i32
      %mul3A_440 = arith.muli %mul3A_439, %select_n3A_414 : i32
      %add3A_441 = arith.constant 2 : i32
      %add3A_442 = arith.addi %add3A_441, %mul3A_440 : i32
      %add3A_443 = arith.constant 1 : i32
      %add3A_444 = arith.addi %add3A_442, %add3A_443 : i32
      %dma_start3A_445 = arith.constant 0 : i32
      %dma_start3A_446 = arith.constant 0 : i32
      %dma_start3A_447 = tpu.memref_slice %arg6[%dma_start3A_445, %dma_start3A_446] : memref<16x1536xf32, #tpu.memory_space<vmem>> -> memref<16x768xf32, #tpu.memory_space<vmem>>
      %dma_start3A_448 = arith.constant 0 : i32
      %dma_start3A_449 = arith.constant 0 : i32
      %dma_start3A_450 = tpu.memref_slice %arg4[%add3A_438, %dma_start3A_448, %dma_start3A_449] : memref<54x4096x768xf32, #tpu.memory_space<hbm>> -> memref<1x4096x768xf32, #tpu.memory_space<hbm>>
      %dma_start3A_451 = tpu.memref_squeeze %dma_start3A_450 : memref<1x4096x768xf32, #tpu.memory_space<hbm>> -> memref<4096x768xf32, #tpu.memory_space<hbm>>
      %dma_start3A_452 = arith.constant 0 : i32
      %dma_start3A_453 = tpu.memref_slice %dma_start3A_451[%mul3A_432, %dma_start3A_452] : memref<4096x768xf32, #tpu.memory_space<hbm>> -> memref<16x768xf32, #tpu.memory_space<hbm>>
      %dma_start3A_454 = arith.constant 0 : i32
      %dma_start3A_455 = arith.constant 0 : i32
      %dma_start3A_456 = tpu.memref_slice %arg4[%add3A_438, %dma_start3A_454, %dma_start3A_455] : memref<54x4096x768xf32, #tpu.memory_space<hbm>> -> memref<1x4096x768xf32, #tpu.memory_space<hbm>>
      %dma_start3A_457 = tpu.memref_squeeze %dma_start3A_456 : memref<1x4096x768xf32, #tpu.memory_space<hbm>> -> memref<4096x768xf32, #tpu.memory_space<hbm>>
      %dma_start3A_458 = arith.constant 0 : i32
      %dma_start3A_459 = tpu.memref_slice %dma_start3A_457[%mul3A_432, %dma_start3A_458] : memref<4096x768xf32, #tpu.memory_space<hbm>> -> memref<16x768xf32, #tpu.memory_space<hbm>>
      %dma_start3A_460 = arith.constant 0 : i32
      %dma_start3A_461 = arith.constant 0 : i32
      %dma_start3A_462 = tpu.memref_slice %arg6[%dma_start3A_460, %dma_start3A_461] : memref<16x1536xf32, #tpu.memory_space<vmem>> -> memref<16x768xf32, #tpu.memory_space<vmem>>
      tpu.enqueue_dma source(%dma_start3A_462 : memref<16x768xf32, #tpu.memory_space<vmem>>) target(%dma_start3A_459 : memref<16x768xf32, #tpu.memory_space<hbm>>) target_semaphore(%arg14 : memref<!tpu.dma_semaphore, #tpu.memory_space<semaphore_mem>>)
      %dma_start3A_463 = arith.constant 0 : i32
      %dma_start3A_464 = arith.constant 768 : i32
      %dma_start3A_465 = tpu.memref_slice %arg6[%dma_start3A_463, %dma_start3A_464] : memref<16x1536xf32, #tpu.memory_space<vmem>> -> memref<16x768xf32, #tpu.memory_space<vmem>>
      %dma_start3A_466 = arith.constant 0 : i32
      %dma_start3A_467 = arith.constant 0 : i32
      %dma_start3A_468 = tpu.memref_slice %arg4[%add3A_444, %dma_start3A_466, %dma_start3A_467] : memref<54x4096x768xf32, #tpu.memory_space<hbm>> -> memref<1x4096x768xf32, #tpu.memory_space<hbm>>
      %dma_start3A_469 = tpu.memref_squeeze %dma_start3A_468 : memref<1x4096x768xf32, #tpu.memory_space<hbm>> -> memref<4096x768xf32, #tpu.memory_space<hbm>>
      %dma_start3A_470 = arith.constant 0 : i32
      %dma_start3A_471 = tpu.memref_slice %dma_start3A_469[%mul3A_432, %dma_start3A_470] : memref<4096x768xf32, #tpu.memory_space<hbm>> -> memref<16x768xf32, #tpu.memory_space<hbm>>
      %dma_start3A_472 = arith.constant 0 : i32
      %dma_start3A_473 = arith.constant 0 : i32
      %dma_start3A_474 = tpu.memref_slice %arg4[%add3A_444, %dma_start3A_472, %dma_start3A_473] : memref<54x4096x768xf32, #tpu.memory_space<hbm>> -> memref<1x4096x768xf32, #tpu.memory_space<hbm>>
      %dma_start3A_475 = tpu.memref_squeeze %dma_start3A_474 : memref<1x4096x768xf32, #tpu.memory_space<hbm>> -> memref<4096x768xf32, #tpu.memory_space<hbm>>
      %dma_start3A_476 = arith.constant 0 : i32
      %dma_start3A_477 = tpu.memref_slice %dma_start3A_475[%mul3A_432, %dma_start3A_476] : memref<4096x768xf32, #tpu.memory_space<hbm>> -> memref<16x768xf32, #tpu.memory_space<hbm>>
      %dma_start3A_478 = arith.constant 0 : i32
      %dma_start3A_479 = arith.constant 768 : i32
      %dma_start3A_480 = tpu.memref_slice %arg6[%dma_start3A_478, %dma_start3A_479] : memref<16x1536xf32, #tpu.memory_space<vmem>> -> memref<16x768xf32, #tpu.memory_space<vmem>>
      tpu.enqueue_dma source(%dma_start3A_480 : memref<16x768xf32, #tpu.memory_space<vmem>>) target(%dma_start3A_477 : memref<16x768xf32, #tpu.memory_space<hbm>>) target_semaphore(%arg14 : memref<!tpu.dma_semaphore, #tpu.memory_space<semaphore_mem>>)
      %add3A_481 = arith.constant 2 : i32
      %add3A_482 = arith.addi %add3A_383, %add3A_481 : i32
      %lt3A_483 = arith.constant 208 : i32
      %lt3A_484 = arith.cmpi slt, %add3A_482, %lt3A_483 : i32
      %ge3A = arith.constant 2 : i32
      %ge3A_485 = arith.cmpi sge, %add3A_383, %ge3A : i32
      %and3A_486 = arith.andi %lt3A_484, %ge3A_485 : i1
      %convert_element_type3A = arith.extui %and3A_486 : i1 to i32
      %cond3A = arith.constant 0 : i32
      %cond3A_487 = arith.cmpi ne, %convert_element_type3A, %cond3A : i32
      scf.if %cond3A_487 {
        %sub3A_849 = arith.constant 2 : i32
        %sub3A_850 = arith.subi %add3A_383, %sub3A_849 : i32
        %add3A_851 = arith.addi %mul3A_4, %sub3A_850 : i32
        %jit3A_852 = arith.constant 256 : i32
        %div3A_853 = arith.divsi %add3A_851, %jit3A_852 : i32
        %sign3A_854 = arith.constant 0 : i32
        %sign3A_855 = arith.cmpi sgt, %add3A_851, %sign3A_854 : i32
        %sign3A_856 = arith.extui %sign3A_855 : i1 to i32
        %sign3A_857 = arith.constant 0 : i32
        %sign3A_858 = arith.cmpi slt, %add3A_851, %sign3A_857 : i32
        %sign3A_859 = arith.extui %sign3A_858 : i1 to i32
        %sign3A_860 = arith.subi %sign3A_856, %sign3A_859 : i32
        %sign3A_861 = arith.constant 0 : i32
        %sign3A_862 = arith.cmpi sgt, %jit3A_852, %sign3A_861 : i32
        %sign3A_863 = arith.extui %sign3A_862 : i1 to i32
        %sign3A_864 = arith.constant 0 : i32
        %sign3A_865 = arith.cmpi slt, %jit3A_852, %sign3A_864 : i32
        %sign3A_866 = arith.extui %sign3A_865 : i1 to i32
        %sign3A_867 = arith.subi %sign3A_863, %sign3A_866 : i32
        %ne3A_868 = arith.cmpi ne, %sign3A_860, %sign3A_867 : i32
        %rem3A_869 = arith.remsi %add3A_851, %jit3A_852 : i32
        %ne3A_870 = arith.constant 0 : i32
        %ne3A_871 = arith.cmpi ne, %rem3A_869, %ne3A_870 : i32
        %and3A_872 = arith.andi %ne3A_868, %ne3A_871 : i1
        %sub3A_873 = arith.constant 1 : i32
        %sub3A_874 = arith.subi %div3A_853, %sub3A_873 : i32
        %select_n3A_875 = arith.select %and3A_872, %sub3A_874, %div3A_853 : i32
        %jit3A_876 = arith.constant 256 : i32
        %eq3A_877 = arith.constant 0 : i32
        %eq3A_878 = arith.cmpi eq, %jit3A_876, %eq3A_877 : i32
        %jit3A_879 = arith.constant 1 : i32
        %select_n3A_880 = arith.select %eq3A_878, %jit3A_879, %jit3A_876 : i32
        %rem3A_881 = arith.remsi %add3A_851, %select_n3A_880 : i32
        %ne3A_882 = arith.constant 0 : i32
        %ne3A_883 = arith.cmpi ne, %rem3A_881, %ne3A_882 : i32
        %lt3A_884 = arith.constant 0 : i32
        %lt3A_885 = arith.cmpi slt, %rem3A_881, %lt3A_884 : i32
        %lt3A_886 = arith.constant 0 : i32
        %lt3A_887 = arith.cmpi slt, %select_n3A_880, %lt3A_886 : i32
        %ne3A_888 = arith.xori %lt3A_885, %lt3A_887 : i1
        %and3A_889 = arith.andi %ne3A_888, %ne3A_883 : i1
        %add3A_890 = arith.addi %rem3A_881, %select_n3A_880 : i32
        %select_n3A_891 = arith.select %and3A_889, %add3A_890, %rem3A_881 : i32
        %mul3A_892 = arith.constant 16 : i32
        %mul3A_893 = arith.muli %select_n3A_891, %mul3A_892 : i32
        %mul3A_894 = arith.constant 2 : i32
        %mul3A_895 = arith.muli %mul3A_894, %select_n3A_875 : i32
        %add3A_896 = arith.constant 2 : i32
        %add3A_897 = arith.addi %add3A_896, %mul3A_895 : i32
        %add3A_898 = arith.constant 0 : i32
        %add3A_899 = arith.addi %add3A_897, %add3A_898 : i32
        %mul3A_900 = arith.constant 2 : i32
        %mul3A_901 = arith.muli %mul3A_900, %select_n3A_875 : i32
        %add3A_902 = arith.constant 2 : i32
        %add3A_903 = arith.addi %add3A_902, %mul3A_901 : i32
        %add3A_904 = arith.constant 1 : i32
        %add3A_905 = arith.addi %add3A_903, %add3A_904 : i32
        %dma_wait3A_906 = arith.constant 0 : i32
        %dma_wait3A_907 = arith.constant 0 : i32
        %dma_wait3A_908 = tpu.memref_slice %arg8[%dma_wait3A_906, %dma_wait3A_907] : memref<16x1536xf32, #tpu.memory_space<vmem>> -> memref<16x768xf32, #tpu.memory_space<vmem>>
        %dma_wait3A_909 = arith.constant 0 : i32
        %dma_wait3A_910 = arith.constant 0 : i32
        %dma_wait3A_911 = tpu.memref_slice %arg4[%add3A_899, %dma_wait3A_909, %dma_wait3A_910] : memref<54x4096x768xf32, #tpu.memory_space<hbm>> -> memref<1x4096x768xf32, #tpu.memory_space<hbm>>
        %dma_wait3A_912 = tpu.memref_squeeze %dma_wait3A_911 : memref<1x4096x768xf32, #tpu.memory_space<hbm>> -> memref<4096x768xf32, #tpu.memory_space<hbm>>
        %dma_wait3A_913 = arith.constant 0 : i32
        %dma_wait3A_914 = tpu.memref_slice %dma_wait3A_912[%mul3A_893, %dma_wait3A_913] : memref<4096x768xf32, #tpu.memory_space<hbm>> -> memref<16x768xf32, #tpu.memory_space<hbm>>
        %dma_wait3A_915 = arith.constant 0 : i32
        %dma_wait3A_916 = arith.constant 0 : i32
        %dma_wait3A_917 = tpu.memref_slice %arg4[%add3A_899, %dma_wait3A_915, %dma_wait3A_916] : memref<54x4096x768xf32, #tpu.memory_space<hbm>> -> memref<1x4096x768xf32, #tpu.memory_space<hbm>>
        %dma_wait3A_918 = tpu.memref_squeeze %dma_wait3A_917 : memref<1x4096x768xf32, #tpu.memory_space<hbm>> -> memref<4096x768xf32, #tpu.memory_space<hbm>>
        %dma_wait3A_919 = arith.constant 0 : i32
        %dma_wait3A_920 = tpu.memref_slice %dma_wait3A_918[%mul3A_893, %dma_wait3A_919] : memref<4096x768xf32, #tpu.memory_space<hbm>> -> memref<16x768xf32, #tpu.memory_space<hbm>>
        %dma_wait3A_921 = arith.constant 0 : i32
        %dma_wait3A_922 = arith.constant 0 : i32
        %dma_wait3A_923 = tpu.memref_slice %arg8[%dma_wait3A_921, %dma_wait3A_922] : memref<16x1536xf32, #tpu.memory_space<vmem>> -> memref<16x768xf32, #tpu.memory_space<vmem>>
        tpu.wait_dma2 semaphore(%arg16 : memref<!tpu.dma_semaphore, #tpu.memory_space<semaphore_mem>>) src(%dma_wait3A_923 : memref<16x768xf32, #tpu.memory_space<vmem>>) dst(%dma_wait3A_920 : memref<16x768xf32, #tpu.memory_space<hbm>>)
        %dma_wait3A_924 = arith.constant 0 : i32
        %dma_wait3A_925 = arith.constant 768 : i32
        %dma_wait3A_926 = tpu.memref_slice %arg8[%dma_wait3A_924, %dma_wait3A_925] : memref<16x1536xf32, #tpu.memory_space<vmem>> -> memref<16x768xf32, #tpu.memory_space<vmem>>
        %dma_wait3A_927 = arith.constant 0 : i32
        %dma_wait3A_928 = arith.constant 0 : i32
        %dma_wait3A_929 = tpu.memref_slice %arg4[%add3A_905, %dma_wait3A_927, %dma_wait3A_928] : memref<54x4096x768xf32, #tpu.memory_space<hbm>> -> memref<1x4096x768xf32, #tpu.memory_space<hbm>>
        %dma_wait3A_930 = tpu.memref_squeeze %dma_wait3A_929 : memref<1x4096x768xf32, #tpu.memory_space<hbm>> -> memref<4096x768xf32, #tpu.memory_space<hbm>>
        %dma_wait3A_931 = arith.constant 0 : i32
        %dma_wait3A_932 = tpu.memref_slice %dma_wait3A_930[%mul3A_893, %dma_wait3A_931] : memref<4096x768xf32, #tpu.memory_space<hbm>> -> memref<16x768xf32, #tpu.memory_space<hbm>>
        %dma_wait3A_933 = arith.constant 0 : i32
        %dma_wait3A_934 = arith.constant 0 : i32
        %dma_wait3A_935 = tpu.memref_slice %arg4[%add3A_905, %dma_wait3A_933, %dma_wait3A_934] : memref<54x4096x768xf32, #tpu.memory_space<hbm>> -> memref<1x4096x768xf32, #tpu.memory_space<hbm>>
        %dma_wait3A_936 = tpu.memref_squeeze %dma_wait3A_935 : memref<1x4096x768xf32, #tpu.memory_space<hbm>> -> memref<4096x768xf32, #tpu.memory_space<hbm>>
        %dma_wait3A_937 = arith.constant 0 : i32
        %dma_wait3A_938 = tpu.memref_slice %dma_wait3A_936[%mul3A_893, %dma_wait3A_937] : memref<4096x768xf32, #tpu.memory_space<hbm>> -> memref<16x768xf32, #tpu.memory_space<hbm>>
        %dma_wait3A_939 = arith.constant 0 : i32
        %dma_wait3A_940 = arith.constant 768 : i32
        %dma_wait3A_941 = tpu.memref_slice %arg8[%dma_wait3A_939, %dma_wait3A_940] : memref<16x1536xf32, #tpu.memory_space<vmem>> -> memref<16x768xf32, #tpu.memory_space<vmem>>
        tpu.wait_dma2 semaphore(%arg16 : memref<!tpu.dma_semaphore, #tpu.memory_space<semaphore_mem>>) src(%dma_wait3A_941 : memref<16x768xf32, #tpu.memory_space<vmem>>) dst(%dma_wait3A_938 : memref<16x768xf32, #tpu.memory_space<hbm>>)
      } else {
      }
      %add3A_488 = arith.constant 2 : i32
      %add3A_489 = arith.addi %add3A_383, %add3A_488 : i32
      %lt3A_490 = arith.constant 208 : i32
      %lt3A_491 = arith.cmpi slt, %add3A_489, %lt3A_490 : i32
      %convert_element_type3A_492 = arith.extui %lt3A_491 : i1 to i32
      %cond3A_493 = arith.constant 0 : i32
      %cond3A_494 = arith.cmpi ne, %convert_element_type3A_492, %cond3A_493 : i32
      scf.if %cond3A_494 {
        %add3A_849 = arith.constant 2 : i32
        %add3A_850 = arith.addi %add3A_383, %add3A_849 : i32
        %mul3A_851 = arith.constant 16 : i32
        %mul3A_852 = arith.muli %add3A_850, %mul3A_851 : i32
        %dma_start3A_853 = tpu.memref_slice %arg5[%mul3A_852] : memref<3328xi32, #tpu.memory_space<vmem>> -> memref<16xi32, #tpu.memory_space<vmem>>
        %dma_start3A_854 = arith.constant 0 : i32
        %dma_start3A_855 = arith.constant 0 : i32
        %dma_start3A_856 = tpu.memref_slice %arg2[%dma_start3A_854, %dma_start3A_855] : memref<26000x1536xf32, #tpu.memory_space<hbm>> -> memref<26000x1536xf32, #tpu.memory_space<hbm>>
        tpu.enqueue_indirect_dma source(%dma_start3A_856 : memref<26000x1536xf32, #tpu.memory_space<hbm>>) target(%arg8 : memref<16x1536xf32, #tpu.memory_space<vmem>>) offsets(%dma_start3A_853 : memref<16xi32, #tpu.memory_space<vmem>>) semaphore(%arg12 : memref<!tpu.dma_semaphore, #tpu.memory_space<semaphore_mem>>)
      } else {
      }
      %mul3A_495 = arith.constant 4 : i32
      %mul3A_496 = arith.muli %add3A_379, %mul3A_495 : i32
      %add3A_497 = arith.constant 1 : i32
      %add3A_498 = arith.addi %mul3A_496, %add3A_497 : i32
      %mul3A_499 = arith.constant 16 : i32
      %mul3A_500 = arith.muli %add3A_498, %mul3A_499 : i32
      %dma_wait3A_501 = tpu.memref_slice %arg5[%mul3A_500] : memref<3328xi32, #tpu.memory_space<vmem>> -> memref<16xi32, #tpu.memory_space<vmem>>
      %dma_wait3A_502 = arith.constant 0 : i32
      %dma_wait3A_503 = arith.constant 0 : i32
      %dma_wait3A_504 = tpu.memref_slice %arg2[%dma_wait3A_502, %dma_wait3A_503] : memref<26000x1536xf32, #tpu.memory_space<hbm>> -> memref<26000x1536xf32, #tpu.memory_space<hbm>>
      tpu.wait_indirect_dma semaphore(%arg11 : memref<!tpu.dma_semaphore, #tpu.memory_space<semaphore_mem>>) src(%dma_wait3A_504 : memref<26000x1536xf32, #tpu.memory_space<hbm>>) dst(%arg7 : memref<16x1536xf32, #tpu.memory_space<vmem>>)
      %add3A_505 = arith.addi %mul3A_4, %add3A_498 : i32
      %jit3A_506 = arith.constant 256 : i32
      %div3A_507 = arith.divsi %add3A_505, %jit3A_506 : i32
      %sign3A_508 = arith.constant 0 : i32
      %sign3A_509 = arith.cmpi sgt, %add3A_505, %sign3A_508 : i32
      %sign3A_510 = arith.extui %sign3A_509 : i1 to i32
      %sign3A_511 = arith.constant 0 : i32
      %sign3A_512 = arith.cmpi slt, %add3A_505, %sign3A_511 : i32
      %sign3A_513 = arith.extui %sign3A_512 : i1 to i32
      %sign3A_514 = arith.subi %sign3A_510, %sign3A_513 : i32
      %sign3A_515 = arith.constant 0 : i32
      %sign3A_516 = arith.cmpi sgt, %jit3A_506, %sign3A_515 : i32
      %sign3A_517 = arith.extui %sign3A_516 : i1 to i32
      %sign3A_518 = arith.constant 0 : i32
      %sign3A_519 = arith.cmpi slt, %jit3A_506, %sign3A_518 : i32
      %sign3A_520 = arith.extui %sign3A_519 : i1 to i32
      %sign3A_521 = arith.subi %sign3A_517, %sign3A_520 : i32
      %ne3A_522 = arith.cmpi ne, %sign3A_514, %sign3A_521 : i32
      %rem3A_523 = arith.remsi %add3A_505, %jit3A_506 : i32
      %ne3A_524 = arith.constant 0 : i32
      %ne3A_525 = arith.cmpi ne, %rem3A_523, %ne3A_524 : i32
      %and3A_526 = arith.andi %ne3A_522, %ne3A_525 : i1
      %sub3A_527 = arith.constant 1 : i32
      %sub3A_528 = arith.subi %div3A_507, %sub3A_527 : i32
      %select_n3A_529 = arith.select %and3A_526, %sub3A_528, %div3A_507 : i32
      %jit3A_530 = arith.constant 256 : i32
      %eq3A_531 = arith.constant 0 : i32
      %eq3A_532 = arith.cmpi eq, %jit3A_530, %eq3A_531 : i32
      %jit3A_533 = arith.constant 1 : i32
      %select_n3A_534 = arith.select %eq3A_532, %jit3A_533, %jit3A_530 : i32
      %rem3A_535 = arith.remsi %add3A_505, %select_n3A_534 : i32
      %ne3A_536 = arith.constant 0 : i32
      %ne3A_537 = arith.cmpi ne, %rem3A_535, %ne3A_536 : i32
      %lt3A_538 = arith.constant 0 : i32
      %lt3A_539 = arith.cmpi slt, %rem3A_535, %lt3A_538 : i32
      %lt3A_540 = arith.constant 0 : i32
      %lt3A_541 = arith.cmpi slt, %select_n3A_534, %lt3A_540 : i32
      %ne3A_542 = arith.xori %lt3A_539, %lt3A_541 : i1
      %and3A_543 = arith.andi %ne3A_542, %ne3A_537 : i1
      %add3A_544 = arith.addi %rem3A_535, %select_n3A_534 : i32
      %select_n3A_545 = arith.select %and3A_543, %add3A_544, %rem3A_535 : i32
      %mul3A_546 = arith.constant 16 : i32
      %mul3A_547 = arith.muli %select_n3A_545, %mul3A_546 : i32
      %mul3A_548 = arith.constant 2 : i32
      %mul3A_549 = arith.muli %mul3A_548, %select_n3A_529 : i32
      %add3A_550 = arith.constant 2 : i32
      %add3A_551 = arith.addi %add3A_550, %mul3A_549 : i32
      %add3A_552 = arith.constant 0 : i32
      %add3A_553 = arith.addi %add3A_551, %add3A_552 : i32
      %mul3A_554 = arith.constant 2 : i32
      %mul3A_555 = arith.muli %mul3A_554, %select_n3A_529 : i32
      %add3A_556 = arith.constant 2 : i32
      %add3A_557 = arith.addi %add3A_556, %mul3A_555 : i32
      %add3A_558 = arith.constant 1 : i32
      %add3A_559 = arith.addi %add3A_557, %add3A_558 : i32
      %dma_start3A_560 = arith.constant 0 : i32
      %dma_start3A_561 = arith.constant 0 : i32
      %dma_start3A_562 = tpu.memref_slice %arg7[%dma_start3A_560, %dma_start3A_561] : memref<16x1536xf32, #tpu.memory_space<vmem>> -> memref<16x768xf32, #tpu.memory_space<vmem>>
      %dma_start3A_563 = arith.constant 0 : i32
      %dma_start3A_564 = arith.constant 0 : i32
      %dma_start3A_565 = tpu.memref_slice %arg4[%add3A_553, %dma_start3A_563, %dma_start3A_564] : memref<54x4096x768xf32, #tpu.memory_space<hbm>> -> memref<1x4096x768xf32, #tpu.memory_space<hbm>>
      %dma_start3A_566 = tpu.memref_squeeze %dma_start3A_565 : memref<1x4096x768xf32, #tpu.memory_space<hbm>> -> memref<4096x768xf32, #tpu.memory_space<hbm>>
      %dma_start3A_567 = arith.constant 0 : i32
      %dma_start3A_568 = tpu.memref_slice %dma_start3A_566[%mul3A_547, %dma_start3A_567] : memref<4096x768xf32, #tpu.memory_space<hbm>> -> memref<16x768xf32, #tpu.memory_space<hbm>>
      %dma_start3A_569 = arith.constant 0 : i32
      %dma_start3A_570 = arith.constant 0 : i32
      %dma_start3A_571 = tpu.memref_slice %arg4[%add3A_553, %dma_start3A_569, %dma_start3A_570] : memref<54x4096x768xf32, #tpu.memory_space<hbm>> -> memref<1x4096x768xf32, #tpu.memory_space<hbm>>
      %dma_start3A_572 = tpu.memref_squeeze %dma_start3A_571 : memref<1x4096x768xf32, #tpu.memory_space<hbm>> -> memref<4096x768xf32, #tpu.memory_space<hbm>>
      %dma_start3A_573 = arith.constant 0 : i32
      %dma_start3A_574 = tpu.memref_slice %dma_start3A_572[%mul3A_547, %dma_start3A_573] : memref<4096x768xf32, #tpu.memory_space<hbm>> -> memref<16x768xf32, #tpu.memory_space<hbm>>
      %dma_start3A_575 = arith.constant 0 : i32
      %dma_start3A_576 = arith.constant 0 : i32
      %dma_start3A_577 = tpu.memref_slice %arg7[%dma_start3A_575, %dma_start3A_576] : memref<16x1536xf32, #tpu.memory_space<vmem>> -> memref<16x768xf32, #tpu.memory_space<vmem>>
      tpu.enqueue_dma source(%dma_start3A_577 : memref<16x768xf32, #tpu.memory_space<vmem>>) target(%dma_start3A_574 : memref<16x768xf32, #tpu.memory_space<hbm>>) target_semaphore(%arg15 : memref<!tpu.dma_semaphore, #tpu.memory_space<semaphore_mem>>)
      %dma_start3A_578 = arith.constant 0 : i32
      %dma_start3A_579 = arith.constant 768 : i32
      %dma_start3A_580 = tpu.memref_slice %arg7[%dma_start3A_578, %dma_start3A_579] : memref<16x1536xf32, #tpu.memory_space<vmem>> -> memref<16x768xf32, #tpu.memory_space<vmem>>
      %dma_start3A_581 = arith.constant 0 : i32
      %dma_start3A_582 = arith.constant 0 : i32
      %dma_start3A_583 = tpu.memref_slice %arg4[%add3A_559, %dma_start3A_581, %dma_start3A_582] : memref<54x4096x768xf32, #tpu.memory_space<hbm>> -> memref<1x4096x768xf32, #tpu.memory_space<hbm>>
      %dma_start3A_584 = tpu.memref_squeeze %dma_start3A_583 : memref<1x4096x768xf32, #tpu.memory_space<hbm>> -> memref<4096x768xf32, #tpu.memory_space<hbm>>
      %dma_start3A_585 = arith.constant 0 : i32
      %dma_start3A_586 = tpu.memref_slice %dma_start3A_584[%mul3A_547, %dma_start3A_585] : memref<4096x768xf32, #tpu.memory_space<hbm>> -> memref<16x768xf32, #tpu.memory_space<hbm>>
      %dma_start3A_587 = arith.constant 0 : i32
      %dma_start3A_588 = arith.constant 0 : i32
      %dma_start3A_589 = tpu.memref_slice %arg4[%add3A_559, %dma_start3A_587, %dma_start3A_588] : memref<54x4096x768xf32, #tpu.memory_space<hbm>> -> memref<1x4096x768xf32, #tpu.memory_space<hbm>>
      %dma_start3A_590 = tpu.memref_squeeze %dma_start3A_589 : memref<1x4096x768xf32, #tpu.memory_space<hbm>> -> memref<4096x768xf32, #tpu.memory_space<hbm>>
      %dma_start3A_591 = arith.constant 0 : i32
      %dma_start3A_592 = tpu.memref_slice %dma_start3A_590[%mul3A_547, %dma_start3A_591] : memref<4096x768xf32, #tpu.memory_space<hbm>> -> memref<16x768xf32, #tpu.memory_space<hbm>>
      %dma_start3A_593 = arith.constant 0 : i32
      %dma_start3A_594 = arith.constant 768 : i32
      %dma_start3A_595 = tpu.memref_slice %arg7[%dma_start3A_593, %dma_start3A_594] : memref<16x1536xf32, #tpu.memory_space<vmem>> -> memref<16x768xf32, #tpu.memory_space<vmem>>
      tpu.enqueue_dma source(%dma_start3A_595 : memref<16x768xf32, #tpu.memory_space<vmem>>) target(%dma_start3A_592 : memref<16x768xf32, #tpu.memory_space<hbm>>) target_semaphore(%arg15 : memref<!tpu.dma_semaphore, #tpu.memory_space<semaphore_mem>>)
      %add3A_596 = arith.constant 2 : i32
      %add3A_597 = arith.addi %add3A_498, %add3A_596 : i32
      %lt3A_598 = arith.constant 208 : i32
      %lt3A_599 = arith.cmpi slt, %add3A_597, %lt3A_598 : i32
      %ge3A_600 = arith.constant 2 : i32
      %ge3A_601 = arith.cmpi sge, %add3A_498, %ge3A_600 : i32
      %and3A_602 = arith.andi %lt3A_599, %ge3A_601 : i1
      %convert_element_type3A_603 = arith.extui %and3A_602 : i1 to i32
      %cond3A_604 = arith.constant 0 : i32
      %cond3A_605 = arith.cmpi ne, %convert_element_type3A_603, %cond3A_604 : i32
      scf.if %cond3A_605 {
        %sub3A_849 = arith.constant 2 : i32
        %sub3A_850 = arith.subi %add3A_498, %sub3A_849 : i32
        %add3A_851 = arith.addi %mul3A_4, %sub3A_850 : i32
        %jit3A_852 = arith.constant 256 : i32
        %div3A_853 = arith.divsi %add3A_851, %jit3A_852 : i32
        %sign3A_854 = arith.constant 0 : i32
        %sign3A_855 = arith.cmpi sgt, %add3A_851, %sign3A_854 : i32
        %sign3A_856 = arith.extui %sign3A_855 : i1 to i32
        %sign3A_857 = arith.constant 0 : i32
        %sign3A_858 = arith.cmpi slt, %add3A_851, %sign3A_857 : i32
        %sign3A_859 = arith.extui %sign3A_858 : i1 to i32
        %sign3A_860 = arith.subi %sign3A_856, %sign3A_859 : i32
        %sign3A_861 = arith.constant 0 : i32
        %sign3A_862 = arith.cmpi sgt, %jit3A_852, %sign3A_861 : i32
        %sign3A_863 = arith.extui %sign3A_862 : i1 to i32
        %sign3A_864 = arith.constant 0 : i32
        %sign3A_865 = arith.cmpi slt, %jit3A_852, %sign3A_864 : i32
        %sign3A_866 = arith.extui %sign3A_865 : i1 to i32
        %sign3A_867 = arith.subi %sign3A_863, %sign3A_866 : i32
        %ne3A_868 = arith.cmpi ne, %sign3A_860, %sign3A_867 : i32
        %rem3A_869 = arith.remsi %add3A_851, %jit3A_852 : i32
        %ne3A_870 = arith.constant 0 : i32
        %ne3A_871 = arith.cmpi ne, %rem3A_869, %ne3A_870 : i32
        %and3A_872 = arith.andi %ne3A_868, %ne3A_871 : i1
        %sub3A_873 = arith.constant 1 : i32
        %sub3A_874 = arith.subi %div3A_853, %sub3A_873 : i32
        %select_n3A_875 = arith.select %and3A_872, %sub3A_874, %div3A_853 : i32
        %jit3A_876 = arith.constant 256 : i32
        %eq3A_877 = arith.constant 0 : i32
        %eq3A_878 = arith.cmpi eq, %jit3A_876, %eq3A_877 : i32
        %jit3A_879 = arith.constant 1 : i32
        %select_n3A_880 = arith.select %eq3A_878, %jit3A_879, %jit3A_876 : i32
        %rem3A_881 = arith.remsi %add3A_851, %select_n3A_880 : i32
        %ne3A_882 = arith.constant 0 : i32
        %ne3A_883 = arith.cmpi ne, %rem3A_881, %ne3A_882 : i32
        %lt3A_884 = arith.constant 0 : i32
        %lt3A_885 = arith.cmpi slt, %rem3A_881, %lt3A_884 : i32
        %lt3A_886 = arith.constant 0 : i32
        %lt3A_887 = arith.cmpi slt, %select_n3A_880, %lt3A_886 : i32
        %ne3A_888 = arith.xori %lt3A_885, %lt3A_887 : i1
        %and3A_889 = arith.andi %ne3A_888, %ne3A_883 : i1
        %add3A_890 = arith.addi %rem3A_881, %select_n3A_880 : i32
        %select_n3A_891 = arith.select %and3A_889, %add3A_890, %rem3A_881 : i32
        %mul3A_892 = arith.constant 16 : i32
        %mul3A_893 = arith.muli %select_n3A_891, %mul3A_892 : i32
        %mul3A_894 = arith.constant 2 : i32
        %mul3A_895 = arith.muli %mul3A_894, %select_n3A_875 : i32
        %add3A_896 = arith.constant 2 : i32
        %add3A_897 = arith.addi %add3A_896, %mul3A_895 : i32
        %add3A_898 = arith.constant 0 : i32
        %add3A_899 = arith.addi %add3A_897, %add3A_898 : i32
        %mul3A_900 = arith.constant 2 : i32
        %mul3A_901 = arith.muli %mul3A_900, %select_n3A_875 : i32
        %add3A_902 = arith.constant 2 : i32
        %add3A_903 = arith.addi %add3A_902, %mul3A_901 : i32
        %add3A_904 = arith.constant 1 : i32
        %add3A_905 = arith.addi %add3A_903, %add3A_904 : i32
        %dma_wait3A_906 = arith.constant 0 : i32
        %dma_wait3A_907 = arith.constant 0 : i32
        %dma_wait3A_908 = tpu.memref_slice %arg9[%dma_wait3A_906, %dma_wait3A_907] : memref<16x1536xf32, #tpu.memory_space<vmem>> -> memref<16x768xf32, #tpu.memory_space<vmem>>
        %dma_wait3A_909 = arith.constant 0 : i32
        %dma_wait3A_910 = arith.constant 0 : i32
        %dma_wait3A_911 = tpu.memref_slice %arg4[%add3A_899, %dma_wait3A_909, %dma_wait3A_910] : memref<54x4096x768xf32, #tpu.memory_space<hbm>> -> memref<1x4096x768xf32, #tpu.memory_space<hbm>>
        %dma_wait3A_912 = tpu.memref_squeeze %dma_wait3A_911 : memref<1x4096x768xf32, #tpu.memory_space<hbm>> -> memref<4096x768xf32, #tpu.memory_space<hbm>>
        %dma_wait3A_913 = arith.constant 0 : i32
        %dma_wait3A_914 = tpu.memref_slice %dma_wait3A_912[%mul3A_893, %dma_wait3A_913] : memref<4096x768xf32, #tpu.memory_space<hbm>> -> memref<16x768xf32, #tpu.memory_space<hbm>>
        %dma_wait3A_915 = arith.constant 0 : i32
        %dma_wait3A_916 = arith.constant 0 : i32
        %dma_wait3A_917 = tpu.memref_slice %arg4[%add3A_899, %dma_wait3A_915, %dma_wait3A_916] : memref<54x4096x768xf32, #tpu.memory_space<hbm>> -> memref<1x4096x768xf32, #tpu.memory_space<hbm>>
        %dma_wait3A_918 = tpu.memref_squeeze %dma_wait3A_917 : memref<1x4096x768xf32, #tpu.memory_space<hbm>> -> memref<4096x768xf32, #tpu.memory_space<hbm>>
        %dma_wait3A_919 = arith.constant 0 : i32
        %dma_wait3A_920 = tpu.memref_slice %dma_wait3A_918[%mul3A_893, %dma_wait3A_919] : memref<4096x768xf32, #tpu.memory_space<hbm>> -> memref<16x768xf32, #tpu.memory_space<hbm>>
        %dma_wait3A_921 = arith.constant 0 : i32
        %dma_wait3A_922 = arith.constant 0 : i32
        %dma_wait3A_923 = tpu.memref_slice %arg9[%dma_wait3A_921, %dma_wait3A_922] : memref<16x1536xf32, #tpu.memory_space<vmem>> -> memref<16x768xf32, #tpu.memory_space<vmem>>
        tpu.wait_dma2 semaphore(%arg17 : memref<!tpu.dma_semaphore, #tpu.memory_space<semaphore_mem>>) src(%dma_wait3A_923 : memref<16x768xf32, #tpu.memory_space<vmem>>) dst(%dma_wait3A_920 : memref<16x768xf32, #tpu.memory_space<hbm>>)
        %dma_wait3A_924 = arith.constant 0 : i32
        %dma_wait3A_925 = arith.constant 768 : i32
        %dma_wait3A_926 = tpu.memref_slice %arg9[%dma_wait3A_924, %dma_wait3A_925] : memref<16x1536xf32, #tpu.memory_space<vmem>> -> memref<16x768xf32, #tpu.memory_space<vmem>>
        %dma_wait3A_927 = arith.constant 0 : i32
        %dma_wait3A_928 = arith.constant 0 : i32
        %dma_wait3A_929 = tpu.memref_slice %arg4[%add3A_905, %dma_wait3A_927, %dma_wait3A_928] : memref<54x4096x768xf32, #tpu.memory_space<hbm>> -> memref<1x4096x768xf32, #tpu.memory_space<hbm>>
        %dma_wait3A_930 = tpu.memref_squeeze %dma_wait3A_929 : memref<1x4096x768xf32, #tpu.memory_space<hbm>> -> memref<4096x768xf32, #tpu.memory_space<hbm>>
        %dma_wait3A_931 = arith.constant 0 : i32
        %dma_wait3A_932 = tpu.memref_slice %dma_wait3A_930[%mul3A_893, %dma_wait3A_931] : memref<4096x768xf32, #tpu.memory_space<hbm>> -> memref<16x768xf32, #tpu.memory_space<hbm>>
        %dma_wait3A_933 = arith.constant 0 : i32
        %dma_wait3A_934 = arith.constant 0 : i32
        %dma_wait3A_935 = tpu.memref_slice %arg4[%add3A_905, %dma_wait3A_933, %dma_wait3A_934] : memref<54x4096x768xf32, #tpu.memory_space<hbm>> -> memref<1x4096x768xf32, #tpu.memory_space<hbm>>
        %dma_wait3A_936 = tpu.memref_squeeze %dma_wait3A_935 : memref<1x4096x768xf32, #tpu.memory_space<hbm>> -> memref<4096x768xf32, #tpu.memory_space<hbm>>
        %dma_wait3A_937 = arith.constant 0 : i32
        %dma_wait3A_938 = tpu.memref_slice %dma_wait3A_936[%mul3A_893, %dma_wait3A_937] : memref<4096x768xf32, #tpu.memory_space<hbm>> -> memref<16x768xf32, #tpu.memory_space<hbm>>
        %dma_wait3A_939 = arith.constant 0 : i32
        %dma_wait3A_940 = arith.constant 768 : i32
        %dma_wait3A_941 = tpu.memref_slice %arg9[%dma_wait3A_939, %dma_wait3A_940] : memref<16x1536xf32, #tpu.memory_space<vmem>> -> memref<16x768xf32, #tpu.memory_space<vmem>>
        tpu.wait_dma2 semaphore(%arg17 : memref<!tpu.dma_semaphore, #tpu.memory_space<semaphore_mem>>) src(%dma_wait3A_941 : memref<16x768xf32, #tpu.memory_space<vmem>>) dst(%dma_wait3A_938 : memref<16x768xf32, #tpu.memory_space<hbm>>)
      } else {
      }
      %add3A_606 = arith.constant 2 : i32
      %add3A_607 = arith.addi %add3A_498, %add3A_606 : i32
      %lt3A_608 = arith.constant 208 : i32
      %lt3A_609 = arith.cmpi slt, %add3A_607, %lt3A_608 : i32
      %convert_element_type3A_610 = arith.extui %lt3A_609 : i1 to i32
      %cond3A_611 = arith.constant 0 : i32
      %cond3A_612 = arith.cmpi ne, %convert_element_type3A_610, %cond3A_611 : i32
      scf.if %cond3A_612 {
        %add3A_849 = arith.constant 2 : i32
        %add3A_850 = arith.addi %add3A_498, %add3A_849 : i32
        %mul3A_851 = arith.constant 16 : i32
        %mul3A_852 = arith.muli %add3A_850, %mul3A_851 : i32
        %dma_start3A_853 = tpu.memref_slice %arg5[%mul3A_852] : memref<3328xi32, #tpu.memory_space<vmem>> -> memref<16xi32, #tpu.memory_space<vmem>>
        %dma_start3A_854 = arith.constant 0 : i32
        %dma_start3A_855 = arith.constant 0 : i32
        %dma_start3A_856 = tpu.memref_slice %arg2[%dma_start3A_854, %dma_start3A_855] : memref<26000x1536xf32, #tpu.memory_space<hbm>> -> memref<26000x1536xf32, #tpu.memory_space<hbm>>
        tpu.enqueue_indirect_dma source(%dma_start3A_856 : memref<26000x1536xf32, #tpu.memory_space<hbm>>) target(%arg9 : memref<16x1536xf32, #tpu.memory_space<vmem>>) offsets(%dma_start3A_853 : memref<16xi32, #tpu.memory_space<vmem>>) semaphore(%arg13 : memref<!tpu.dma_semaphore, #tpu.memory_space<semaphore_mem>>)
      } else {
      }
      %mul3A_613 = arith.constant 4 : i32
      %mul3A_614 = arith.muli %add3A_379, %mul3A_613 : i32
      %add3A_615 = arith.constant 2 : i32
      %add3A_616 = arith.addi %mul3A_614, %add3A_615 : i32
      %mul3A_617 = arith.constant 16 : i32
      %mul3A_618 = arith.muli %add3A_616, %mul3A_617 : i32
      %dma_wait3A_619 = tpu.memref_slice %arg5[%mul3A_618] : memref<3328xi32, #tpu.memory_space<vmem>> -> memref<16xi32, #tpu.memory_space<vmem>>
      %dma_wait3A_620 = arith.constant 0 : i32
      %dma_wait3A_621 = arith.constant 0 : i32
      %dma_wait3A_622 = tpu.memref_slice %arg2[%dma_wait3A_620, %dma_wait3A_621] : memref<26000x1536xf32, #tpu.memory_space<hbm>> -> memref<26000x1536xf32, #tpu.memory_space<hbm>>
      tpu.wait_indirect_dma semaphore(%arg12 : memref<!tpu.dma_semaphore, #tpu.memory_space<semaphore_mem>>) src(%dma_wait3A_622 : memref<26000x1536xf32, #tpu.memory_space<hbm>>) dst(%arg8 : memref<16x1536xf32, #tpu.memory_space<vmem>>)
      %add3A_623 = arith.addi %mul3A_4, %add3A_616 : i32
      %jit3A_624 = arith.constant 256 : i32
      %div3A_625 = arith.divsi %add3A_623, %jit3A_624 : i32
      %sign3A_626 = arith.constant 0 : i32
      %sign3A_627 = arith.cmpi sgt, %add3A_623, %sign3A_626 : i32
      %sign3A_628 = arith.extui %sign3A_627 : i1 to i32
      %sign3A_629 = arith.constant 0 : i32
      %sign3A_630 = arith.cmpi slt, %add3A_623, %sign3A_629 : i32
      %sign3A_631 = arith.extui %sign3A_630 : i1 to i32
      %sign3A_632 = arith.subi %sign3A_628, %sign3A_631 : i32
      %sign3A_633 = arith.constant 0 : i32
      %sign3A_634 = arith.cmpi sgt, %jit3A_624, %sign3A_633 : i32
      %sign3A_635 = arith.extui %sign3A_634 : i1 to i32
      %sign3A_636 = arith.constant 0 : i32
      %sign3A_637 = arith.cmpi slt, %jit3A_624, %sign3A_636 : i32
      %sign3A_638 = arith.extui %sign3A_637 : i1 to i32
      %sign3A_639 = arith.subi %sign3A_635, %sign3A_638 : i32
      %ne3A_640 = arith.cmpi ne, %sign3A_632, %sign3A_639 : i32
      %rem3A_641 = arith.remsi %add3A_623, %jit3A_624 : i32
      %ne3A_642 = arith.constant 0 : i32
      %ne3A_643 = arith.cmpi ne, %rem3A_641, %ne3A_642 : i32
      %and3A_644 = arith.andi %ne3A_640, %ne3A_643 : i1
      %sub3A_645 = arith.constant 1 : i32
      %sub3A_646 = arith.subi %div3A_625, %sub3A_645 : i32
      %select_n3A_647 = arith.select %and3A_644, %sub3A_646, %div3A_625 : i32
      %jit3A_648 = arith.constant 256 : i32
      %eq3A_649 = arith.constant 0 : i32
      %eq3A_650 = arith.cmpi eq, %jit3A_648, %eq3A_649 : i32
      %jit3A_651 = arith.constant 1 : i32
      %select_n3A_652 = arith.select %eq3A_650, %jit3A_651, %jit3A_648 : i32
      %rem3A_653 = arith.remsi %add3A_623, %select_n3A_652 : i32
      %ne3A_654 = arith.constant 0 : i32
      %ne3A_655 = arith.cmpi ne, %rem3A_653, %ne3A_654 : i32
      %lt3A_656 = arith.constant 0 : i32
      %lt3A_657 = arith.cmpi slt, %rem3A_653, %lt3A_656 : i32
      %lt3A_658 = arith.constant 0 : i32
      %lt3A_659 = arith.cmpi slt, %select_n3A_652, %lt3A_658 : i32
      %ne3A_660 = arith.xori %lt3A_657, %lt3A_659 : i1
      %and3A_661 = arith.andi %ne3A_660, %ne3A_655 : i1
      %add3A_662 = arith.addi %rem3A_653, %select_n3A_652 : i32
      %select_n3A_663 = arith.select %and3A_661, %add3A_662, %rem3A_653 : i32
      %mul3A_664 = arith.constant 16 : i32
      %mul3A_665 = arith.muli %select_n3A_663, %mul3A_664 : i32
      %mul3A_666 = arith.constant 2 : i32
      %mul3A_667 = arith.muli %mul3A_666, %select_n3A_647 : i32
      %add3A_668 = arith.constant 2 : i32
      %add3A_669 = arith.addi %add3A_668, %mul3A_667 : i32
      %add3A_670 = arith.constant 0 : i32
      %add3A_671 = arith.addi %add3A_669, %add3A_670 : i32
      %mul3A_672 = arith.constant 2 : i32
      %mul3A_673 = arith.muli %mul3A_672, %select_n3A_647 : i32
      %add3A_674 = arith.constant 2 : i32
      %add3A_675 = arith.addi %add3A_674, %mul3A_673 : i32
      %add3A_676 = arith.constant 1 : i32
      %add3A_677 = arith.addi %add3A_675, %add3A_676 : i32
      %dma_start3A_678 = arith.constant 0 : i32
      %dma_start3A_679 = arith.constant 0 : i32
      %dma_start3A_680 = tpu.memref_slice %arg8[%dma_start3A_678, %dma_start3A_679] : memref<16x1536xf32, #tpu.memory_space<vmem>> -> memref<16x768xf32, #tpu.memory_space<vmem>>
      %dma_start3A_681 = arith.constant 0 : i32
      %dma_start3A_682 = arith.constant 0 : i32
      %dma_start3A_683 = tpu.memref_slice %arg4[%add3A_671, %dma_start3A_681, %dma_start3A_682] : memref<54x4096x768xf32, #tpu.memory_space<hbm>> -> memref<1x4096x768xf32, #tpu.memory_space<hbm>>
      %dma_start3A_684 = tpu.memref_squeeze %dma_start3A_683 : memref<1x4096x768xf32, #tpu.memory_space<hbm>> -> memref<4096x768xf32, #tpu.memory_space<hbm>>
      %dma_start3A_685 = arith.constant 0 : i32
      %dma_start3A_686 = tpu.memref_slice %dma_start3A_684[%mul3A_665, %dma_start3A_685] : memref<4096x768xf32, #tpu.memory_space<hbm>> -> memref<16x768xf32, #tpu.memory_space<hbm>>
      %dma_start3A_687 = arith.constant 0 : i32
      %dma_start3A_688 = arith.constant 0 : i32
      %dma_start3A_689 = tpu.memref_slice %arg4[%add3A_671, %dma_start3A_687, %dma_start3A_688] : memref<54x4096x768xf32, #tpu.memory_space<hbm>> -> memref<1x4096x768xf32, #tpu.memory_space<hbm>>
      %dma_start3A_690 = tpu.memref_squeeze %dma_start3A_689 : memref<1x4096x768xf32, #tpu.memory_space<hbm>> -> memref<4096x768xf32, #tpu.memory_space<hbm>>
      %dma_start3A_691 = arith.constant 0 : i32
      %dma_start3A_692 = tpu.memref_slice %dma_start3A_690[%mul3A_665, %dma_start3A_691] : memref<4096x768xf32, #tpu.memory_space<hbm>> -> memref<16x768xf32, #tpu.memory_space<hbm>>
      %dma_start3A_693 = arith.constant 0 : i32
      %dma_start3A_694 = arith.constant 0 : i32
      %dma_start3A_695 = tpu.memref_slice %arg8[%dma_start3A_693, %dma_start3A_694] : memref<16x1536xf32, #tpu.memory_space<vmem>> -> memref<16x768xf32, #tpu.memory_space<vmem>>
      tpu.enqueue_dma source(%dma_start3A_695 : memref<16x768xf32, #tpu.memory_space<vmem>>) target(%dma_start3A_692 : memref<16x768xf32, #tpu.memory_space<hbm>>) target_semaphore(%arg16 : memref<!tpu.dma_semaphore, #tpu.memory_space<semaphore_mem>>)
      %dma_start3A_696 = arith.constant 0 : i32
      %dma_start3A_697 = arith.constant 768 : i32
      %dma_start3A_698 = tpu.memref_slice %arg8[%dma_start3A_696, %dma_start3A_697] : memref<16x1536xf32, #tpu.memory_space<vmem>> -> memref<16x768xf32, #tpu.memory_space<vmem>>
      %dma_start3A_699 = arith.constant 0 : i32
      %dma_start3A_700 = arith.constant 0 : i32
      %dma_start3A_701 = tpu.memref_slice %arg4[%add3A_677, %dma_start3A_699, %dma_start3A_700] : memref<54x4096x768xf32, #tpu.memory_space<hbm>> -> memref<1x4096x768xf32, #tpu.memory_space<hbm>>
      %dma_start3A_702 = tpu.memref_squeeze %dma_start3A_701 : memref<1x4096x768xf32, #tpu.memory_space<hbm>> -> memref<4096x768xf32, #tpu.memory_space<hbm>>
      %dma_start3A_703 = arith.constant 0 : i32
      %dma_start3A_704 = tpu.memref_slice %dma_start3A_702[%mul3A_665, %dma_start3A_703] : memref<4096x768xf32, #tpu.memory_space<hbm>> -> memref<16x768xf32, #tpu.memory_space<hbm>>
      %dma_start3A_705 = arith.constant 0 : i32
      %dma_start3A_706 = arith.constant 0 : i32
      %dma_start3A_707 = tpu.memref_slice %arg4[%add3A_677, %dma_start3A_705, %dma_start3A_706] : memref<54x4096x768xf32, #tpu.memory_space<hbm>> -> memref<1x4096x768xf32, #tpu.memory_space<hbm>>
      %dma_start3A_708 = tpu.memref_squeeze %dma_start3A_707 : memref<1x4096x768xf32, #tpu.memory_space<hbm>> -> memref<4096x768xf32, #tpu.memory_space<hbm>>
      %dma_start3A_709 = arith.constant 0 : i32
      %dma_start3A_710 = tpu.memref_slice %dma_start3A_708[%mul3A_665, %dma_start3A_709] : memref<4096x768xf32, #tpu.memory_space<hbm>> -> memref<16x768xf32, #tpu.memory_space<hbm>>
      %dma_start3A_711 = arith.constant 0 : i32
      %dma_start3A_712 = arith.constant 768 : i32
      %dma_start3A_713 = tpu.memref_slice %arg8[%dma_start3A_711, %dma_start3A_712] : memref<16x1536xf32, #tpu.memory_space<vmem>> -> memref<16x768xf32, #tpu.memory_space<vmem>>
      tpu.enqueue_dma source(%dma_start3A_713 : memref<16x768xf32, #tpu.memory_space<vmem>>) target(%dma_start3A_710 : memref<16x768xf32, #tpu.memory_space<hbm>>) target_semaphore(%arg16 : memref<!tpu.dma_semaphore, #tpu.memory_space<semaphore_mem>>)
      %add3A_714 = arith.constant 2 : i32
      %add3A_715 = arith.addi %add3A_616, %add3A_714 : i32
      %lt3A_716 = arith.constant 208 : i32
      %lt3A_717 = arith.cmpi slt, %add3A_715, %lt3A_716 : i32
      %ge3A_718 = arith.constant 2 : i32
      %ge3A_719 = arith.cmpi sge, %add3A_616, %ge3A_718 : i32
      %and3A_720 = arith.andi %lt3A_717, %ge3A_719 : i1
      %convert_element_type3A_721 = arith.extui %and3A_720 : i1 to i32
      %cond3A_722 = arith.constant 0 : i32
      %cond3A_723 = arith.cmpi ne, %convert_element_type3A_721, %cond3A_722 : i32
      scf.if %cond3A_723 {
        %sub3A_849 = arith.constant 2 : i32
        %sub3A_850 = arith.subi %add3A_616, %sub3A_849 : i32
        %add3A_851 = arith.addi %mul3A_4, %sub3A_850 : i32
        %jit3A_852 = arith.constant 256 : i32
        %div3A_853 = arith.divsi %add3A_851, %jit3A_852 : i32
        %sign3A_854 = arith.constant 0 : i32
        %sign3A_855 = arith.cmpi sgt, %add3A_851, %sign3A_854 : i32
        %sign3A_856 = arith.extui %sign3A_855 : i1 to i32
        %sign3A_857 = arith.constant 0 : i32
        %sign3A_858 = arith.cmpi slt, %add3A_851, %sign3A_857 : i32
        %sign3A_859 = arith.extui %sign3A_858 : i1 to i32
        %sign3A_860 = arith.subi %sign3A_856, %sign3A_859 : i32
        %sign3A_861 = arith.constant 0 : i32
        %sign3A_862 = arith.cmpi sgt, %jit3A_852, %sign3A_861 : i32
        %sign3A_863 = arith.extui %sign3A_862 : i1 to i32
        %sign3A_864 = arith.constant 0 : i32
        %sign3A_865 = arith.cmpi slt, %jit3A_852, %sign3A_864 : i32
        %sign3A_866 = arith.extui %sign3A_865 : i1 to i32
        %sign3A_867 = arith.subi %sign3A_863, %sign3A_866 : i32
        %ne3A_868 = arith.cmpi ne, %sign3A_860, %sign3A_867 : i32
        %rem3A_869 = arith.remsi %add3A_851, %jit3A_852 : i32
        %ne3A_870 = arith.constant 0 : i32
        %ne3A_871 = arith.cmpi ne, %rem3A_869, %ne3A_870 : i32
        %and3A_872 = arith.andi %ne3A_868, %ne3A_871 : i1
        %sub3A_873 = arith.constant 1 : i32
        %sub3A_874 = arith.subi %div3A_853, %sub3A_873 : i32
        %select_n3A_875 = arith.select %and3A_872, %sub3A_874, %div3A_853 : i32
        %jit3A_876 = arith.constant 256 : i32
        %eq3A_877 = arith.constant 0 : i32
        %eq3A_878 = arith.cmpi eq, %jit3A_876, %eq3A_877 : i32
        %jit3A_879 = arith.constant 1 : i32
        %select_n3A_880 = arith.select %eq3A_878, %jit3A_879, %jit3A_876 : i32
        %rem3A_881 = arith.remsi %add3A_851, %select_n3A_880 : i32
        %ne3A_882 = arith.constant 0 : i32
        %ne3A_883 = arith.cmpi ne, %rem3A_881, %ne3A_882 : i32
        %lt3A_884 = arith.constant 0 : i32
        %lt3A_885 = arith.cmpi slt, %rem3A_881, %lt3A_884 : i32
        %lt3A_886 = arith.constant 0 : i32
        %lt3A_887 = arith.cmpi slt, %select_n3A_880, %lt3A_886 : i32
        %ne3A_888 = arith.xori %lt3A_885, %lt3A_887 : i1
        %and3A_889 = arith.andi %ne3A_888, %ne3A_883 : i1
        %add3A_890 = arith.addi %rem3A_881, %select_n3A_880 : i32
        %select_n3A_891 = arith.select %and3A_889, %add3A_890, %rem3A_881 : i32
        %mul3A_892 = arith.constant 16 : i32
        %mul3A_893 = arith.muli %select_n3A_891, %mul3A_892 : i32
        %mul3A_894 = arith.constant 2 : i32
        %mul3A_895 = arith.muli %mul3A_894, %select_n3A_875 : i32
        %add3A_896 = arith.constant 2 : i32
        %add3A_897 = arith.addi %add3A_896, %mul3A_895 : i32
        %add3A_898 = arith.constant 0 : i32
        %add3A_899 = arith.addi %add3A_897, %add3A_898 : i32
        %mul3A_900 = arith.constant 2 : i32
        %mul3A_901 = arith.muli %mul3A_900, %select_n3A_875 : i32
        %add3A_902 = arith.constant 2 : i32
        %add3A_903 = arith.addi %add3A_902, %mul3A_901 : i32
        %add3A_904 = arith.constant 1 : i32
        %add3A_905 = arith.addi %add3A_903, %add3A_904 : i32
        %dma_wait3A_906 = arith.constant 0 : i32
        %dma_wait3A_907 = arith.constant 0 : i32
        %dma_wait3A_908 = tpu.memref_slice %arg6[%dma_wait3A_906, %dma_wait3A_907] : memref<16x1536xf32, #tpu.memory_space<vmem>> -> memref<16x768xf32, #tpu.memory_space<vmem>>
        %dma_wait3A_909 = arith.constant 0 : i32
        %dma_wait3A_910 = arith.constant 0 : i32
        %dma_wait3A_911 = tpu.memref_slice %arg4[%add3A_899, %dma_wait3A_909, %dma_wait3A_910] : memref<54x4096x768xf32, #tpu.memory_space<hbm>> -> memref<1x4096x768xf32, #tpu.memory_space<hbm>>
        %dma_wait3A_912 = tpu.memref_squeeze %dma_wait3A_911 : memref<1x4096x768xf32, #tpu.memory_space<hbm>> -> memref<4096x768xf32, #tpu.memory_space<hbm>>
        %dma_wait3A_913 = arith.constant 0 : i32
        %dma_wait3A_914 = tpu.memref_slice %dma_wait3A_912[%mul3A_893, %dma_wait3A_913] : memref<4096x768xf32, #tpu.memory_space<hbm>> -> memref<16x768xf32, #tpu.memory_space<hbm>>
        %dma_wait3A_915 = arith.constant 0 : i32
        %dma_wait3A_916 = arith.constant 0 : i32
        %dma_wait3A_917 = tpu.memref_slice %arg4[%add3A_899, %dma_wait3A_915, %dma_wait3A_916] : memref<54x4096x768xf32, #tpu.memory_space<hbm>> -> memref<1x4096x768xf32, #tpu.memory_space<hbm>>
        %dma_wait3A_918 = tpu.memref_squeeze %dma_wait3A_917 : memref<1x4096x768xf32, #tpu.memory_space<hbm>> -> memref<4096x768xf32, #tpu.memory_space<hbm>>
        %dma_wait3A_919 = arith.constant 0 : i32
        %dma_wait3A_920 = tpu.memref_slice %dma_wait3A_918[%mul3A_893, %dma_wait3A_919] : memref<4096x768xf32, #tpu.memory_space<hbm>> -> memref<16x768xf32, #tpu.memory_space<hbm>>
        %dma_wait3A_921 = arith.constant 0 : i32
        %dma_wait3A_922 = arith.constant 0 : i32
        %dma_wait3A_923 = tpu.memref_slice %arg6[%dma_wait3A_921, %dma_wait3A_922] : memref<16x1536xf32, #tpu.memory_space<vmem>> -> memref<16x768xf32, #tpu.memory_space<vmem>>
        tpu.wait_dma2 semaphore(%arg14 : memref<!tpu.dma_semaphore, #tpu.memory_space<semaphore_mem>>) src(%dma_wait3A_923 : memref<16x768xf32, #tpu.memory_space<vmem>>) dst(%dma_wait3A_920 : memref<16x768xf32, #tpu.memory_space<hbm>>)
        %dma_wait3A_924 = arith.constant 0 : i32
        %dma_wait3A_925 = arith.constant 768 : i32
        %dma_wait3A_926 = tpu.memref_slice %arg6[%dma_wait3A_924, %dma_wait3A_925] : memref<16x1536xf32, #tpu.memory_space<vmem>> -> memref<16x768xf32, #tpu.memory_space<vmem>>
        %dma_wait3A_927 = arith.constant 0 : i32
        %dma_wait3A_928 = arith.constant 0 : i32
        %dma_wait3A_929 = tpu.memref_slice %arg4[%add3A_905, %dma_wait3A_927, %dma_wait3A_928] : memref<54x4096x768xf32, #tpu.memory_space<hbm>> -> memref<1x4096x768xf32, #tpu.memory_space<hbm>>
        %dma_wait3A_930 = tpu.memref_squeeze %dma_wait3A_929 : memref<1x4096x768xf32, #tpu.memory_space<hbm>> -> memref<4096x768xf32, #tpu.memory_space<hbm>>
        %dma_wait3A_931 = arith.constant 0 : i32
        %dma_wait3A_932 = tpu.memref_slice %dma_wait3A_930[%mul3A_893, %dma_wait3A_931] : memref<4096x768xf32, #tpu.memory_space<hbm>> -> memref<16x768xf32, #tpu.memory_space<hbm>>
        %dma_wait3A_933 = arith.constant 0 : i32
        %dma_wait3A_934 = arith.constant 0 : i32
        %dma_wait3A_935 = tpu.memref_slice %arg4[%add3A_905, %dma_wait3A_933, %dma_wait3A_934] : memref<54x4096x768xf32, #tpu.memory_space<hbm>> -> memref<1x4096x768xf32, #tpu.memory_space<hbm>>
        %dma_wait3A_936 = tpu.memref_squeeze %dma_wait3A_935 : memref<1x4096x768xf32, #tpu.memory_space<hbm>> -> memref<4096x768xf32, #tpu.memory_space<hbm>>
        %dma_wait3A_937 = arith.constant 0 : i32
        %dma_wait3A_938 = tpu.memref_slice %dma_wait3A_936[%mul3A_893, %dma_wait3A_937] : memref<4096x768xf32, #tpu.memory_space<hbm>> -> memref<16x768xf32, #tpu.memory_space<hbm>>
        %dma_wait3A_939 = arith.constant 0 : i32
        %dma_wait3A_940 = arith.constant 768 : i32
        %dma_wait3A_941 = tpu.memref_slice %arg6[%dma_wait3A_939, %dma_wait3A_940] : memref<16x1536xf32, #tpu.memory_space<vmem>> -> memref<16x768xf32, #tpu.memory_space<vmem>>
        tpu.wait_dma2 semaphore(%arg14 : memref<!tpu.dma_semaphore, #tpu.memory_space<semaphore_mem>>) src(%dma_wait3A_941 : memref<16x768xf32, #tpu.memory_space<vmem>>) dst(%dma_wait3A_938 : memref<16x768xf32, #tpu.memory_space<hbm>>)
      } else {
      }
      %add3A_724 = arith.constant 2 : i32
      %add3A_725 = arith.addi %add3A_616, %add3A_724 : i32
      %lt3A_726 = arith.constant 208 : i32
      %lt3A_727 = arith.cmpi slt, %add3A_725, %lt3A_726 : i32
      %convert_element_type3A_728 = arith.extui %lt3A_727 : i1 to i32
      %cond3A_729 = arith.constant 0 : i32
      %cond3A_730 = arith.cmpi ne, %convert_element_type3A_728, %cond3A_729 : i32
      scf.if %cond3A_730 {
        %add3A_849 = arith.constant 2 : i32
        %add3A_850 = arith.addi %add3A_616, %add3A_849 : i32
        %mul3A_851 = arith.constant 16 : i32
        %mul3A_852 = arith.muli %add3A_850, %mul3A_851 : i32
        %dma_start3A_853 = tpu.memref_slice %arg5[%mul3A_852] : memref<3328xi32, #tpu.memory_space<vmem>> -> memref<16xi32, #tpu.memory_space<vmem>>
        %dma_start3A_854 = arith.constant 0 : i32
        %dma_start3A_855 = arith.constant 0 : i32
        %dma_start3A_856 = tpu.memref_slice %arg2[%dma_start3A_854, %dma_start3A_855] : memref<26000x1536xf32, #tpu.memory_space<hbm>> -> memref<26000x1536xf32, #tpu.memory_space<hbm>>
        tpu.enqueue_indirect_dma source(%dma_start3A_856 : memref<26000x1536xf32, #tpu.memory_space<hbm>>) target(%arg6 : memref<16x1536xf32, #tpu.memory_space<vmem>>) offsets(%dma_start3A_853 : memref<16xi32, #tpu.memory_space<vmem>>) semaphore(%arg10 : memref<!tpu.dma_semaphore, #tpu.memory_space<semaphore_mem>>)
      } else {
      }
      %mul3A_731 = arith.constant 4 : i32
      %mul3A_732 = arith.muli %add3A_379, %mul3A_731 : i32
      %add3A_733 = arith.constant 3 : i32
      %add3A_734 = arith.addi %mul3A_732, %add3A_733 : i32
      %mul3A_735 = arith.constant 16 : i32
      %mul3A_736 = arith.muli %add3A_734, %mul3A_735 : i32
      %dma_wait3A_737 = tpu.memref_slice %arg5[%mul3A_736] : memref<3328xi32, #tpu.memory_space<vmem>> -> memref<16xi32, #tpu.memory_space<vmem>>
      %dma_wait3A_738 = arith.constant 0 : i32
      %dma_wait3A_739 = arith.constant 0 : i32
      %dma_wait3A_740 = tpu.memref_slice %arg2[%dma_wait3A_738, %dma_wait3A_739] : memref<26000x1536xf32, #tpu.memory_space<hbm>> -> memref<26000x1536xf32, #tpu.memory_space<hbm>>
      tpu.wait_indirect_dma semaphore(%arg13 : memref<!tpu.dma_semaphore, #tpu.memory_space<semaphore_mem>>) src(%dma_wait3A_740 : memref<26000x1536xf32, #tpu.memory_space<hbm>>) dst(%arg9 : memref<16x1536xf32, #tpu.memory_space<vmem>>)
      %add3A_741 = arith.addi %mul3A_4, %add3A_734 : i32
      %jit3A_742 = arith.constant 256 : i32
      %div3A_743 = arith.divsi %add3A_741, %jit3A_742 : i32
      %sign3A_744 = arith.constant 0 : i32
      %sign3A_745 = arith.cmpi sgt, %add3A_741, %sign3A_744 : i32
      %sign3A_746 = arith.extui %sign3A_745 : i1 to i32
      %sign3A_747 = arith.constant 0 : i32
      %sign3A_748 = arith.cmpi slt, %add3A_741, %sign3A_747 : i32
      %sign3A_749 = arith.extui %sign3A_748 : i1 to i32
      %sign3A_750 = arith.subi %sign3A_746, %sign3A_749 : i32
      %sign3A_751 = arith.constant 0 : i32
      %sign3A_752 = arith.cmpi sgt, %jit3A_742, %sign3A_751 : i32
      %sign3A_753 = arith.extui %sign3A_752 : i1 to i32
      %sign3A_754 = arith.constant 0 : i32
      %sign3A_755 = arith.cmpi slt, %jit3A_742, %sign3A_754 : i32
      %sign3A_756 = arith.extui %sign3A_755 : i1 to i32
      %sign3A_757 = arith.subi %sign3A_753, %sign3A_756 : i32
      %ne3A_758 = arith.cmpi ne, %sign3A_750, %sign3A_757 : i32
      %rem3A_759 = arith.remsi %add3A_741, %jit3A_742 : i32
      %ne3A_760 = arith.constant 0 : i32
      %ne3A_761 = arith.cmpi ne, %rem3A_759, %ne3A_760 : i32
      %and3A_762 = arith.andi %ne3A_758, %ne3A_761 : i1
      %sub3A_763 = arith.constant 1 : i32
      %sub3A_764 = arith.subi %div3A_743, %sub3A_763 : i32
      %select_n3A_765 = arith.select %and3A_762, %sub3A_764, %div3A_743 : i32
      %jit3A_766 = arith.constant 256 : i32
      %eq3A_767 = arith.constant 0 : i32
      %eq3A_768 = arith.cmpi eq, %jit3A_766, %eq3A_767 : i32
      %jit3A_769 = arith.constant 1 : i32
      %select_n3A_770 = arith.select %eq3A_768, %jit3A_769, %jit3A_766 : i32
      %rem3A_771 = arith.remsi %add3A_741, %select_n3A_770 : i32
      %ne3A_772 = arith.constant 0 : i32
      %ne3A_773 = arith.cmpi ne, %rem3A_771, %ne3A_772 : i32
      %lt3A_774 = arith.constant 0 : i32
      %lt3A_775 = arith.cmpi slt, %rem3A_771, %lt3A_774 : i32
      %lt3A_776 = arith.constant 0 : i32
      %lt3A_777 = arith.cmpi slt, %select_n3A_770, %lt3A_776 : i32
      %ne3A_778 = arith.xori %lt3A_775, %lt3A_777 : i1
      %and3A_779 = arith.andi %ne3A_778, %ne3A_773 : i1
      %add3A_780 = arith.addi %rem3A_771, %select_n3A_770 : i32
      %select_n3A_781 = arith.select %and3A_779, %add3A_780, %rem3A_771 : i32
      %mul3A_782 = arith.constant 16 : i32
      %mul3A_783 = arith.muli %select_n3A_781, %mul3A_782 : i32
      %mul3A_784 = arith.constant 2 : i32
      %mul3A_785 = arith.muli %mul3A_784, %select_n3A_765 : i32
      %add3A_786 = arith.constant 2 : i32
      %add3A_787 = arith.addi %add3A_786, %mul3A_785 : i32
      %add3A_788 = arith.constant 0 : i32
      %add3A_789 = arith.addi %add3A_787, %add3A_788 : i32
      %mul3A_790 = arith.constant 2 : i32
      %mul3A_791 = arith.muli %mul3A_790, %select_n3A_765 : i32
      %add3A_792 = arith.constant 2 : i32
      %add3A_793 = arith.addi %add3A_792, %mul3A_791 : i32
      %add3A_794 = arith.constant 1 : i32
      %add3A_795 = arith.addi %add3A_793, %add3A_794 : i32
      %dma_start3A_796 = arith.constant 0 : i32
      %dma_start3A_797 = arith.constant 0 : i32
      %dma_start3A_798 = tpu.memref_slice %arg9[%dma_start3A_796, %dma_start3A_797] : memref<16x1536xf32, #tpu.memory_space<vmem>> -> memref<16x768xf32, #tpu.memory_space<vmem>>
      %dma_start3A_799 = arith.constant 0 : i32
      %dma_start3A_800 = arith.constant 0 : i32
      %dma_start3A_801 = tpu.memref_slice %arg4[%add3A_789, %dma_start3A_799, %dma_start3A_800] : memref<54x4096x768xf32, #tpu.memory_space<hbm>> -> memref<1x4096x768xf32, #tpu.memory_space<hbm>>
      %dma_start3A_802 = tpu.memref_squeeze %dma_start3A_801 : memref<1x4096x768xf32, #tpu.memory_space<hbm>> -> memref<4096x768xf32, #tpu.memory_space<hbm>>
      %dma_start3A_803 = arith.constant 0 : i32
      %dma_start3A_804 = tpu.memref_slice %dma_start3A_802[%mul3A_783, %dma_start3A_803] : memref<4096x768xf32, #tpu.memory_space<hbm>> -> memref<16x768xf32, #tpu.memory_space<hbm>>
      %dma_start3A_805 = arith.constant 0 : i32
      %dma_start3A_806 = arith.constant 0 : i32
      %dma_start3A_807 = tpu.memref_slice %arg4[%add3A_789, %dma_start3A_805, %dma_start3A_806] : memref<54x4096x768xf32, #tpu.memory_space<hbm>> -> memref<1x4096x768xf32, #tpu.memory_space<hbm>>
      %dma_start3A_808 = tpu.memref_squeeze %dma_start3A_807 : memref<1x4096x768xf32, #tpu.memory_space<hbm>> -> memref<4096x768xf32, #tpu.memory_space<hbm>>
      %dma_start3A_809 = arith.constant 0 : i32
      %dma_start3A_810 = tpu.memref_slice %dma_start3A_808[%mul3A_783, %dma_start3A_809] : memref<4096x768xf32, #tpu.memory_space<hbm>> -> memref<16x768xf32, #tpu.memory_space<hbm>>
      %dma_start3A_811 = arith.constant 0 : i32
      %dma_start3A_812 = arith.constant 0 : i32
      %dma_start3A_813 = tpu.memref_slice %arg9[%dma_start3A_811, %dma_start3A_812] : memref<16x1536xf32, #tpu.memory_space<vmem>> -> memref<16x768xf32, #tpu.memory_space<vmem>>
      tpu.enqueue_dma source(%dma_start3A_813 : memref<16x768xf32, #tpu.memory_space<vmem>>) target(%dma_start3A_810 : memref<16x768xf32, #tpu.memory_space<hbm>>) target_semaphore(%arg17 : memref<!tpu.dma_semaphore, #tpu.memory_space<semaphore_mem>>)
      %dma_start3A_814 = arith.constant 0 : i32
      %dma_start3A_815 = arith.constant 768 : i32
      %dma_start3A_816 = tpu.memref_slice %arg9[%dma_start3A_814, %dma_start3A_815] : memref<16x1536xf32, #tpu.memory_space<vmem>> -> memref<16x768xf32, #tpu.memory_space<vmem>>
      %dma_start3A_817 = arith.constant 0 : i32
      %dma_start3A_818 = arith.constant 0 : i32
      %dma_start3A_819 = tpu.memref_slice %arg4[%add3A_795, %dma_start3A_817, %dma_start3A_818] : memref<54x4096x768xf32, #tpu.memory_space<hbm>> -> memref<1x4096x768xf32, #tpu.memory_space<hbm>>
      %dma_start3A_820 = tpu.memref_squeeze %dma_start3A_819 : memref<1x4096x768xf32, #tpu.memory_space<hbm>> -> memref<4096x768xf32, #tpu.memory_space<hbm>>
      %dma_start3A_821 = arith.constant 0 : i32
      %dma_start3A_822 = tpu.memref_slice %dma_start3A_820[%mul3A_783, %dma_start3A_821] : memref<4096x768xf32, #tpu.memory_space<hbm>> -> memref<16x768xf32, #tpu.memory_space<hbm>>
      %dma_start3A_823 = arith.constant 0 : i32
      %dma_start3A_824 = arith.constant 0 : i32
      %dma_start3A_825 = tpu.memref_slice %arg4[%add3A_795, %dma_start3A_823, %dma_start3A_824] : memref<54x4096x768xf32, #tpu.memory_space<hbm>> -> memref<1x4096x768xf32, #tpu.memory_space<hbm>>
      %dma_start3A_826 = tpu.memref_squeeze %dma_start3A_825 : memref<1x4096x768xf32, #tpu.memory_space<hbm>> -> memref<4096x768xf32, #tpu.memory_space<hbm>>
      %dma_start3A_827 = arith.constant 0 : i32
      %dma_start3A_828 = tpu.memref_slice %dma_start3A_826[%mul3A_783, %dma_start3A_827] : memref<4096x768xf32, #tpu.memory_space<hbm>> -> memref<16x768xf32, #tpu.memory_space<hbm>>
      %dma_start3A_829 = arith.constant 0 : i32
      %dma_start3A_830 = arith.constant 768 : i32
      %dma_start3A_831 = tpu.memref_slice %arg9[%dma_start3A_829, %dma_start3A_830] : memref<16x1536xf32, #tpu.memory_space<vmem>> -> memref<16x768xf32, #tpu.memory_space<vmem>>
      tpu.enqueue_dma source(%dma_start3A_831 : memref<16x768xf32, #tpu.memory_space<vmem>>) target(%dma_start3A_828 : memref<16x768xf32, #tpu.memory_space<hbm>>) target_semaphore(%arg17 : memref<!tpu.dma_semaphore, #tpu.memory_space<semaphore_mem>>)
      %add3A_832 = arith.constant 2 : i32
      %add3A_833 = arith.addi %add3A_734, %add3A_832 : i32
      %lt3A_834 = arith.constant 208 : i32
      %lt3A_835 = arith.cmpi slt, %add3A_833, %lt3A_834 : i32
      %ge3A_836 = arith.constant 2 : i32
      %ge3A_837 = arith.cmpi sge, %add3A_734, %ge3A_836 : i32
      %and3A_838 = arith.andi %lt3A_835, %ge3A_837 : i1
      %convert_element_type3A_839 = arith.extui %and3A_838 : i1 to i32
      %cond3A_840 = arith.constant 0 : i32
      %cond3A_841 = arith.cmpi ne, %convert_element_type3A_839, %cond3A_840 : i32
      scf.if %cond3A_841 {
        %sub3A_849 = arith.constant 2 : i32
        %sub3A_850 = arith.subi %add3A_734, %sub3A_849 : i32
        %add3A_851 = arith.addi %mul3A_4, %sub3A_850 : i32
        %jit3A_852 = arith.constant 256 : i32
        %div3A_853 = arith.divsi %add3A_851, %jit3A_852 : i32
        %sign3A_854 = arith.constant 0 : i32
        %sign3A_855 = arith.cmpi sgt, %add3A_851, %sign3A_854 : i32
        %sign3A_856 = arith.extui %sign3A_855 : i1 to i32
        %sign3A_857 = arith.constant 0 : i32
        %sign3A_858 = arith.cmpi slt, %add3A_851, %sign3A_857 : i32
        %sign3A_859 = arith.extui %sign3A_858 : i1 to i32
        %sign3A_860 = arith.subi %sign3A_856, %sign3A_859 : i32
        %sign3A_861 = arith.constant 0 : i32
        %sign3A_862 = arith.cmpi sgt, %jit3A_852, %sign3A_861 : i32
        %sign3A_863 = arith.extui %sign3A_862 : i1 to i32
        %sign3A_864 = arith.constant 0 : i32
        %sign3A_865 = arith.cmpi slt, %jit3A_852, %sign3A_864 : i32
        %sign3A_866 = arith.extui %sign3A_865 : i1 to i32
        %sign3A_867 = arith.subi %sign3A_863, %sign3A_866 : i32
        %ne3A_868 = arith.cmpi ne, %sign3A_860, %sign3A_867 : i32
        %rem3A_869 = arith.remsi %add3A_851, %jit3A_852 : i32
        %ne3A_870 = arith.constant 0 : i32
        %ne3A_871 = arith.cmpi ne, %rem3A_869, %ne3A_870 : i32
        %and3A_872 = arith.andi %ne3A_868, %ne3A_871 : i1
        %sub3A_873 = arith.constant 1 : i32
        %sub3A_874 = arith.subi %div3A_853, %sub3A_873 : i32
        %select_n3A_875 = arith.select %and3A_872, %sub3A_874, %div3A_853 : i32
        %jit3A_876 = arith.constant 256 : i32
        %eq3A_877 = arith.constant 0 : i32
        %eq3A_878 = arith.cmpi eq, %jit3A_876, %eq3A_877 : i32
        %jit3A_879 = arith.constant 1 : i32
        %select_n3A_880 = arith.select %eq3A_878, %jit3A_879, %jit3A_876 : i32
        %rem3A_881 = arith.remsi %add3A_851, %select_n3A_880 : i32
        %ne3A_882 = arith.constant 0 : i32
        %ne3A_883 = arith.cmpi ne, %rem3A_881, %ne3A_882 : i32
        %lt3A_884 = arith.constant 0 : i32
        %lt3A_885 = arith.cmpi slt, %rem3A_881, %lt3A_884 : i32
        %lt3A_886 = arith.constant 0 : i32
        %lt3A_887 = arith.cmpi slt, %select_n3A_880, %lt3A_886 : i32
        %ne3A_888 = arith.xori %lt3A_885, %lt3A_887 : i1
        %and3A_889 = arith.andi %ne3A_888, %ne3A_883 : i1
        %add3A_890 = arith.addi %rem3A_881, %select_n3A_880 : i32
        %select_n3A_891 = arith.select %and3A_889, %add3A_890, %rem3A_881 : i32
        %mul3A_892 = arith.constant 16 : i32
        %mul3A_893 = arith.muli %select_n3A_891, %mul3A_892 : i32
        %mul3A_894 = arith.constant 2 : i32
        %mul3A_895 = arith.muli %mul3A_894, %select_n3A_875 : i32
        %add3A_896 = arith.constant 2 : i32
        %add3A_897 = arith.addi %add3A_896, %mul3A_895 : i32
        %add3A_898 = arith.constant 0 : i32
        %add3A_899 = arith.addi %add3A_897, %add3A_898 : i32
        %mul3A_900 = arith.constant 2 : i32
        %mul3A_901 = arith.muli %mul3A_900, %select_n3A_875 : i32
        %add3A_902 = arith.constant 2 : i32
        %add3A_903 = arith.addi %add3A_902, %mul3A_901 : i32
        %add3A_904 = arith.constant 1 : i32
        %add3A_905 = arith.addi %add3A_903, %add3A_904 : i32
        %dma_wait3A_906 = arith.constant 0 : i32
        %dma_wait3A_907 = arith.constant 0 : i32
        %dma_wait3A_908 = tpu.memref_slice %arg7[%dma_wait3A_906, %dma_wait3A_907] : memref<16x1536xf32, #tpu.memory_space<vmem>> -> memref<16x768xf32, #tpu.memory_space<vmem>>
        %dma_wait3A_909 = arith.constant 0 : i32
        %dma_wait3A_910 = arith.constant 0 : i32
        %dma_wait3A_911 = tpu.memref_slice %arg4[%add3A_899, %dma_wait3A_909, %dma_wait3A_910] : memref<54x4096x768xf32, #tpu.memory_space<hbm>> -> memref<1x4096x768xf32, #tpu.memory_space<hbm>>
        %dma_wait3A_912 = tpu.memref_squeeze %dma_wait3A_911 : memref<1x4096x768xf32, #tpu.memory_space<hbm>> -> memref<4096x768xf32, #tpu.memory_space<hbm>>
        %dma_wait3A_913 = arith.constant 0 : i32
        %dma_wait3A_914 = tpu.memref_slice %dma_wait3A_912[%mul3A_893, %dma_wait3A_913] : memref<4096x768xf32, #tpu.memory_space<hbm>> -> memref<16x768xf32, #tpu.memory_space<hbm>>
        %dma_wait3A_915 = arith.constant 0 : i32
        %dma_wait3A_916 = arith.constant 0 : i32
        %dma_wait3A_917 = tpu.memref_slice %arg4[%add3A_899, %dma_wait3A_915, %dma_wait3A_916] : memref<54x4096x768xf32, #tpu.memory_space<hbm>> -> memref<1x4096x768xf32, #tpu.memory_space<hbm>>
        %dma_wait3A_918 = tpu.memref_squeeze %dma_wait3A_917 : memref<1x4096x768xf32, #tpu.memory_space<hbm>> -> memref<4096x768xf32, #tpu.memory_space<hbm>>
        %dma_wait3A_919 = arith.constant 0 : i32
        %dma_wait3A_920 = tpu.memref_slice %dma_wait3A_918[%mul3A_893, %dma_wait3A_919] : memref<4096x768xf32, #tpu.memory_space<hbm>> -> memref<16x768xf32, #tpu.memory_space<hbm>>
        %dma_wait3A_921 = arith.constant 0 : i32
        %dma_wait3A_922 = arith.constant 0 : i32
        %dma_wait3A_923 = tpu.memref_slice %arg7[%dma_wait3A_921, %dma_wait3A_922] : memref<16x1536xf32, #tpu.memory_space<vmem>> -> memref<16x768xf32, #tpu.memory_space<vmem>>
        tpu.wait_dma2 semaphore(%arg15 : memref<!tpu.dma_semaphore, #tpu.memory_space<semaphore_mem>>) src(%dma_wait3A_923 : memref<16x768xf32, #tpu.memory_space<vmem>>) dst(%dma_wait3A_920 : memref<16x768xf32, #tpu.memory_space<hbm>>)
        %dma_wait3A_924 = arith.constant 0 : i32
        %dma_wait3A_925 = arith.constant 768 : i32
        %dma_wait3A_926 = tpu.memref_slice %arg7[%dma_wait3A_924, %dma_wait3A_925] : memref<16x1536xf32, #tpu.memory_space<vmem>> -> memref<16x768xf32, #tpu.memory_space<vmem>>
        %dma_wait3A_927 = arith.constant 0 : i32
        %dma_wait3A_928 = arith.constant 0 : i32
        %dma_wait3A_929 = tpu.memref_slice %arg4[%add3A_905, %dma_wait3A_927, %dma_wait3A_928] : memref<54x4096x768xf32, #tpu.memory_space<hbm>> -> memref<1x4096x768xf32, #tpu.memory_space<hbm>>
        %dma_wait3A_930 = tpu.memref_squeeze %dma_wait3A_929 : memref<1x4096x768xf32, #tpu.memory_space<hbm>> -> memref<4096x768xf32, #tpu.memory_space<hbm>>
        %dma_wait3A_931 = arith.constant 0 : i32
        %dma_wait3A_932 = tpu.memref_slice %dma_wait3A_930[%mul3A_893, %dma_wait3A_931] : memref<4096x768xf32, #tpu.memory_space<hbm>> -> memref<16x768xf32, #tpu.memory_space<hbm>>
        %dma_wait3A_933 = arith.constant 0 : i32
        %dma_wait3A_934 = arith.constant 0 : i32
        %dma_wait3A_935 = tpu.memref_slice %arg4[%add3A_905, %dma_wait3A_933, %dma_wait3A_934] : memref<54x4096x768xf32, #tpu.memory_space<hbm>> -> memref<1x4096x768xf32, #tpu.memory_space<hbm>>
        %dma_wait3A_936 = tpu.memref_squeeze %dma_wait3A_935 : memref<1x4096x768xf32, #tpu.memory_space<hbm>> -> memref<4096x768xf32, #tpu.memory_space<hbm>>
        %dma_wait3A_937 = arith.constant 0 : i32
        %dma_wait3A_938 = tpu.memref_slice %dma_wait3A_936[%mul3A_893, %dma_wait3A_937] : memref<4096x768xf32, #tpu.memory_space<hbm>> -> memref<16x768xf32, #tpu.memory_space<hbm>>
        %dma_wait3A_939 = arith.constant 0 : i32
        %dma_wait3A_940 = arith.constant 768 : i32
        %dma_wait3A_941 = tpu.memref_slice %arg7[%dma_wait3A_939, %dma_wait3A_940] : memref<16x1536xf32, #tpu.memory_space<vmem>> -> memref<16x768xf32, #tpu.memory_space<vmem>>
        tpu.wait_dma2 semaphore(%arg15 : memref<!tpu.dma_semaphore, #tpu.memory_space<semaphore_mem>>) src(%dma_wait3A_941 : memref<16x768xf32, #tpu.memory_space<vmem>>) dst(%dma_wait3A_938 : memref<16x768xf32, #tpu.memory_space<hbm>>)
      } else {
      }
      %add3A_842 = arith.constant 2 : i32
      %add3A_843 = arith.addi %add3A_734, %add3A_842 : i32
      %lt3A_844 = arith.constant 208 : i32
      %lt3A_845 = arith.cmpi slt, %add3A_843, %lt3A_844 : i32
      %convert_element_type3A_846 = arith.extui %lt3A_845 : i1 to i32
      %cond3A_847 = arith.constant 0 : i32
      %cond3A_848 = arith.cmpi ne, %convert_element_type3A_846, %cond3A_847 : i32
      scf.if %cond3A_848 {
        %add3A_849 = arith.constant 2 : i32
        %add3A_850 = arith.addi %add3A_734, %add3A_849 : i32
        %mul3A_851 = arith.constant 16 : i32
        %mul3A_852 = arith.muli %add3A_850, %mul3A_851 : i32
        %dma_start3A_853 = tpu.memref_slice %arg5[%mul3A_852] : memref<3328xi32, #tpu.memory_space<vmem>> -> memref<16xi32, #tpu.memory_space<vmem>>
        %dma_start3A_854 = arith.constant 0 : i32
        %dma_start3A_855 = arith.constant 0 : i32
        %dma_start3A_856 = tpu.memref_slice %arg2[%dma_start3A_854, %dma_start3A_855] : memref<26000x1536xf32, #tpu.memory_space<hbm>> -> memref<26000x1536xf32, #tpu.memory_space<hbm>>
        tpu.enqueue_indirect_dma source(%dma_start3A_856 : memref<26000x1536xf32, #tpu.memory_space<hbm>>) target(%arg7 : memref<16x1536xf32, #tpu.memory_space<vmem>>) offsets(%dma_start3A_853 : memref<16xi32, #tpu.memory_space<vmem>>) semaphore(%arg11 : memref<!tpu.dma_semaphore, #tpu.memory_space<semaphore_mem>>)
      } else {
      }
    }
    %scan3A_17 = arith.constant 52 : i32
    %add3A_18 = arith.constant 204 : i32
    %add3A_19 = arith.addi %mul3A_4, %add3A_18 : i32
    %jit3A = arith.constant 256 : i32
    %div3A = arith.divsi %add3A_19, %jit3A : i32
    %sign3A = arith.constant 0 : i32
    %sign3A_20 = arith.cmpi sgt, %add3A_19, %sign3A : i32
    %sign3A_21 = arith.extui %sign3A_20 : i1 to i32
    %sign3A_22 = arith.constant 0 : i32
    %sign3A_23 = arith.cmpi slt, %add3A_19, %sign3A_22 : i32
    %sign3A_24 = arith.extui %sign3A_23 : i1 to i32
    %sign3A_25 = arith.subi %sign3A_21, %sign3A_24 : i32
    %sign3A_26 = arith.constant 0 : i32
    %sign3A_27 = arith.cmpi sgt, %jit3A, %sign3A_26 : i32
    %sign3A_28 = arith.extui %sign3A_27 : i1 to i32
    %sign3A_29 = arith.constant 0 : i32
    %sign3A_30 = arith.cmpi slt, %jit3A, %sign3A_29 : i32
    %sign3A_31 = arith.extui %sign3A_30 : i1 to i32
    %sign3A_32 = arith.subi %sign3A_28, %sign3A_31 : i32
    %ne3A = arith.cmpi ne, %sign3A_25, %sign3A_32 : i32
    %rem3A = arith.remsi %add3A_19, %jit3A : i32
    %ne3A_33 = arith.constant 0 : i32
    %ne3A_34 = arith.cmpi ne, %rem3A, %ne3A_33 : i32
    %and3A = arith.andi %ne3A, %ne3A_34 : i1
    %sub3A = arith.constant 1 : i32
    %sub3A_35 = arith.subi %div3A, %sub3A : i32
    %select_n3A = arith.select %and3A, %sub3A_35, %div3A : i32
    %jit3A_36 = arith.constant 256 : i32
    %eq3A = arith.constant 0 : i32
    %eq3A_37 = arith.cmpi eq, %jit3A_36, %eq3A : i32
    %jit3A_38 = arith.constant 1 : i32
    %select_n3A_39 = arith.select %eq3A_37, %jit3A_38, %jit3A_36 : i32
    %rem3A_40 = arith.remsi %add3A_19, %select_n3A_39 : i32
    %ne3A_41 = arith.constant 0 : i32
    %ne3A_42 = arith.cmpi ne, %rem3A_40, %ne3A_41 : i32
    %lt3A = arith.constant 0 : i32
    %lt3A_43 = arith.cmpi slt, %rem3A_40, %lt3A : i32
    %lt3A_44 = arith.constant 0 : i32
    %lt3A_45 = arith.cmpi slt, %select_n3A_39, %lt3A_44 : i32
    %ne3A_46 = arith.xori %lt3A_43, %lt3A_45 : i1
    %and3A_47 = arith.andi %ne3A_46, %ne3A_42 : i1
    %add3A_48 = arith.addi %rem3A_40, %select_n3A_39 : i32
    %select_n3A_49 = arith.select %and3A_47, %add3A_48, %rem3A_40 : i32
    %mul3A_50 = arith.constant 16 : i32
    %mul3A_51 = arith.muli %select_n3A_49, %mul3A_50 : i32
    %mul3A_52 = arith.constant 2 : i32
    %mul3A_53 = arith.muli %mul3A_52, %select_n3A : i32
    %add3A_54 = arith.constant 2 : i32
    %add3A_55 = arith.addi %add3A_54, %mul3A_53 : i32
    %add3A_56 = arith.constant 0 : i32
    %add3A_57 = arith.addi %add3A_55, %add3A_56 : i32
    %mul3A_58 = arith.constant 2 : i32
    %mul3A_59 = arith.muli %mul3A_58, %select_n3A : i32
    %add3A_60 = arith.constant 2 : i32
    %add3A_61 = arith.addi %add3A_60, %mul3A_59 : i32
    %add3A_62 = arith.constant 1 : i32
    %add3A_63 = arith.addi %add3A_61, %add3A_62 : i32
    %dma_wait3A = arith.constant 0 : i32
    %dma_wait3A_64 = arith.constant 0 : i32
    %dma_wait3A_65 = tpu.memref_slice %arg6[%dma_wait3A, %dma_wait3A_64] : memref<16x1536xf32, #tpu.memory_space<vmem>> -> memref<16x768xf32, #tpu.memory_space<vmem>>
    %dma_wait3A_66 = arith.constant 0 : i32
    %dma_wait3A_67 = arith.constant 0 : i32
    %dma_wait3A_68 = tpu.memref_slice %arg4[%add3A_57, %dma_wait3A_66, %dma_wait3A_67] : memref<54x4096x768xf32, #tpu.memory_space<hbm>> -> memref<1x4096x768xf32, #tpu.memory_space<hbm>>
    %dma_wait3A_69 = tpu.memref_squeeze %dma_wait3A_68 : memref<1x4096x768xf32, #tpu.memory_space<hbm>> -> memref<4096x768xf32, #tpu.memory_space<hbm>>
    %dma_wait3A_70 = arith.constant 0 : i32
    %dma_wait3A_71 = tpu.memref_slice %dma_wait3A_69[%mul3A_51, %dma_wait3A_70] : memref<4096x768xf32, #tpu.memory_space<hbm>> -> memref<16x768xf32, #tpu.memory_space<hbm>>
    %dma_wait3A_72 = arith.constant 0 : i32
    %dma_wait3A_73 = arith.constant 0 : i32
    %dma_wait3A_74 = tpu.memref_slice %arg4[%add3A_57, %dma_wait3A_72, %dma_wait3A_73] : memref<54x4096x768xf32, #tpu.memory_space<hbm>> -> memref<1x4096x768xf32, #tpu.memory_space<hbm>>
    %dma_wait3A_75 = tpu.memref_squeeze %dma_wait3A_74 : memref<1x4096x768xf32, #tpu.memory_space<hbm>> -> memref<4096x768xf32, #tpu.memory_space<hbm>>
    %dma_wait3A_76 = arith.constant 0 : i32
    %dma_wait3A_77 = tpu.memref_slice %dma_wait3A_75[%mul3A_51, %dma_wait3A_76] : memref<4096x768xf32, #tpu.memory_space<hbm>> -> memref<16x768xf32, #tpu.memory_space<hbm>>
    %dma_wait3A_78 = arith.constant 0 : i32
    %dma_wait3A_79 = arith.constant 0 : i32
    %dma_wait3A_80 = tpu.memref_slice %arg6[%dma_wait3A_78, %dma_wait3A_79] : memref<16x1536xf32, #tpu.memory_space<vmem>> -> memref<16x768xf32, #tpu.memory_space<vmem>>
    tpu.wait_dma2 semaphore(%arg14 : memref<!tpu.dma_semaphore, #tpu.memory_space<semaphore_mem>>) src(%dma_wait3A_80 : memref<16x768xf32, #tpu.memory_space<vmem>>) dst(%dma_wait3A_77 : memref<16x768xf32, #tpu.memory_space<hbm>>)
    %dma_wait3A_81 = arith.constant 0 : i32
    %dma_wait3A_82 = arith.constant 768 : i32
    %dma_wait3A_83 = tpu.memref_slice %arg6[%dma_wait3A_81, %dma_wait3A_82] : memref<16x1536xf32, #tpu.memory_space<vmem>> -> memref<16x768xf32, #tpu.memory_space<vmem>>
    %dma_wait3A_84 = arith.constant 0 : i32
    %dma_wait3A_85 = arith.constant 0 : i32
    %dma_wait3A_86 = tpu.memref_slice %arg4[%add3A_63, %dma_wait3A_84, %dma_wait3A_85] : memref<54x4096x768xf32, #tpu.memory_space<hbm>> -> memref<1x4096x768xf32, #tpu.memory_space<hbm>>
    %dma_wait3A_87 = tpu.memref_squeeze %dma_wait3A_86 : memref<1x4096x768xf32, #tpu.memory_space<hbm>> -> memref<4096x768xf32, #tpu.memory_space<hbm>>
    %dma_wait3A_88 = arith.constant 0 : i32
    %dma_wait3A_89 = tpu.memref_slice %dma_wait3A_87[%mul3A_51, %dma_wait3A_88] : memref<4096x768xf32, #tpu.memory_space<hbm>> -> memref<16x768xf32, #tpu.memory_space<hbm>>
    %dma_wait3A_90 = arith.constant 0 : i32
    %dma_wait3A_91 = arith.constant 0 : i32
    %dma_wait3A_92 = tpu.memref_slice %arg4[%add3A_63, %dma_wait3A_90, %dma_wait3A_91] : memref<54x4096x768xf32, #tpu.memory_space<hbm>> -> memref<1x4096x768xf32, #tpu.memory_space<hbm>>
    %dma_wait3A_93 = tpu.memref_squeeze %dma_wait3A_92 : memref<1x4096x768xf32, #tpu.memory_space<hbm>> -> memref<4096x768xf32, #tpu.memory_space<hbm>>
    %dma_wait3A_94 = arith.constant 0 : i32
    %dma_wait3A_95 = tpu.memref_slice %dma_wait3A_93[%mul3A_51, %dma_wait3A_94] : memref<4096x768xf32, #tpu.memory_space<hbm>> -> memref<16x768xf32, #tpu.memory_space<hbm>>
    %dma_wait3A_96 = arith.constant 0 : i32
    %dma_wait3A_97 = arith.constant 768 : i32
    %dma_wait3A_98 = tpu.memref_slice %arg6[%dma_wait3A_96, %dma_wait3A_97] : memref<16x1536xf32, #tpu.memory_space<vmem>> -> memref<16x768xf32, #tpu.memory_space<vmem>>
    tpu.wait_dma2 semaphore(%arg14 : memref<!tpu.dma_semaphore, #tpu.memory_space<semaphore_mem>>) src(%dma_wait3A_98 : memref<16x768xf32, #tpu.memory_space<vmem>>) dst(%dma_wait3A_95 : memref<16x768xf32, #tpu.memory_space<hbm>>)
    %add3A_99 = arith.constant 205 : i32
    %add3A_100 = arith.addi %mul3A_4, %add3A_99 : i32
    %jit3A_101 = arith.constant 256 : i32
    %div3A_102 = arith.divsi %add3A_100, %jit3A_101 : i32
    %sign3A_103 = arith.constant 0 : i32
    %sign3A_104 = arith.cmpi sgt, %add3A_100, %sign3A_103 : i32
    %sign3A_105 = arith.extui %sign3A_104 : i1 to i32
    %sign3A_106 = arith.constant 0 : i32
    %sign3A_107 = arith.cmpi slt, %add3A_100, %sign3A_106 : i32
    %sign3A_108 = arith.extui %sign3A_107 : i1 to i32
    %sign3A_109 = arith.subi %sign3A_105, %sign3A_108 : i32
    %sign3A_110 = arith.constant 0 : i32
    %sign3A_111 = arith.cmpi sgt, %jit3A_101, %sign3A_110 : i32
    %sign3A_112 = arith.extui %sign3A_111 : i1 to i32
    %sign3A_113 = arith.constant 0 : i32
    %sign3A_114 = arith.cmpi slt, %jit3A_101, %sign3A_113 : i32
    %sign3A_115 = arith.extui %sign3A_114 : i1 to i32
    %sign3A_116 = arith.subi %sign3A_112, %sign3A_115 : i32
    %ne3A_117 = arith.cmpi ne, %sign3A_109, %sign3A_116 : i32
    %rem3A_118 = arith.remsi %add3A_100, %jit3A_101 : i32
    %ne3A_119 = arith.constant 0 : i32
    %ne3A_120 = arith.cmpi ne, %rem3A_118, %ne3A_119 : i32
    %and3A_121 = arith.andi %ne3A_117, %ne3A_120 : i1
    %sub3A_122 = arith.constant 1 : i32
    %sub3A_123 = arith.subi %div3A_102, %sub3A_122 : i32
    %select_n3A_124 = arith.select %and3A_121, %sub3A_123, %div3A_102 : i32
    %jit3A_125 = arith.constant 256 : i32
    %eq3A_126 = arith.constant 0 : i32
    %eq3A_127 = arith.cmpi eq, %jit3A_125, %eq3A_126 : i32
    %jit3A_128 = arith.constant 1 : i32
    %select_n3A_129 = arith.select %eq3A_127, %jit3A_128, %jit3A_125 : i32
    %rem3A_130 = arith.remsi %add3A_100, %select_n3A_129 : i32
    %ne3A_131 = arith.constant 0 : i32
    %ne3A_132 = arith.cmpi ne, %rem3A_130, %ne3A_131 : i32
    %lt3A_133 = arith.constant 0 : i32
    %lt3A_134 = arith.cmpi slt, %rem3A_130, %lt3A_133 : i32
    %lt3A_135 = arith.constant 0 : i32
    %lt3A_136 = arith.cmpi slt, %select_n3A_129, %lt3A_135 : i32
    %ne3A_137 = arith.xori %lt3A_134, %lt3A_136 : i1
    %and3A_138 = arith.andi %ne3A_137, %ne3A_132 : i1
    %add3A_139 = arith.addi %rem3A_130, %select_n3A_129 : i32
    %select_n3A_140 = arith.select %and3A_138, %add3A_139, %rem3A_130 : i32
    %mul3A_141 = arith.constant 16 : i32
    %mul3A_142 = arith.muli %select_n3A_140, %mul3A_141 : i32
    %mul3A_143 = arith.constant 2 : i32
    %mul3A_144 = arith.muli %mul3A_143, %select_n3A_124 : i32
    %add3A_145 = arith.constant 2 : i32
    %add3A_146 = arith.addi %add3A_145, %mul3A_144 : i32
    %add3A_147 = arith.constant 0 : i32
    %add3A_148 = arith.addi %add3A_146, %add3A_147 : i32
    %mul3A_149 = arith.constant 2 : i32
    %mul3A_150 = arith.muli %mul3A_149, %select_n3A_124 : i32
    %add3A_151 = arith.constant 2 : i32
    %add3A_152 = arith.addi %add3A_151, %mul3A_150 : i32
    %add3A_153 = arith.constant 1 : i32
    %add3A_154 = arith.addi %add3A_152, %add3A_153 : i32
    %dma_wait3A_155 = arith.constant 0 : i32
    %dma_wait3A_156 = arith.constant 0 : i32
    %dma_wait3A_157 = tpu.memref_slice %arg7[%dma_wait3A_155, %dma_wait3A_156] : memref<16x1536xf32, #tpu.memory_space<vmem>> -> memref<16x768xf32, #tpu.memory_space<vmem>>
    %dma_wait3A_158 = arith.constant 0 : i32
    %dma_wait3A_159 = arith.constant 0 : i32
    %dma_wait3A_160 = tpu.memref_slice %arg4[%add3A_148, %dma_wait3A_158, %dma_wait3A_159] : memref<54x4096x768xf32, #tpu.memory_space<hbm>> -> memref<1x4096x768xf32, #tpu.memory_space<hbm>>
    %dma_wait3A_161 = tpu.memref_squeeze %dma_wait3A_160 : memref<1x4096x768xf32, #tpu.memory_space<hbm>> -> memref<4096x768xf32, #tpu.memory_space<hbm>>
    %dma_wait3A_162 = arith.constant 0 : i32
    %dma_wait3A_163 = tpu.memref_slice %dma_wait3A_161[%mul3A_142, %dma_wait3A_162] : memref<4096x768xf32, #tpu.memory_space<hbm>> -> memref<16x768xf32, #tpu.memory_space<hbm>>
    %dma_wait3A_164 = arith.constant 0 : i32
    %dma_wait3A_165 = arith.constant 0 : i32
    %dma_wait3A_166 = tpu.memref_slice %arg4[%add3A_148, %dma_wait3A_164, %dma_wait3A_165] : memref<54x4096x768xf32, #tpu.memory_space<hbm>> -> memref<1x4096x768xf32, #tpu.memory_space<hbm>>
    %dma_wait3A_167 = tpu.memref_squeeze %dma_wait3A_166 : memref<1x4096x768xf32, #tpu.memory_space<hbm>> -> memref<4096x768xf32, #tpu.memory_space<hbm>>
    %dma_wait3A_168 = arith.constant 0 : i32
    %dma_wait3A_169 = tpu.memref_slice %dma_wait3A_167[%mul3A_142, %dma_wait3A_168] : memref<4096x768xf32, #tpu.memory_space<hbm>> -> memref<16x768xf32, #tpu.memory_space<hbm>>
    %dma_wait3A_170 = arith.constant 0 : i32
    %dma_wait3A_171 = arith.constant 0 : i32
    %dma_wait3A_172 = tpu.memref_slice %arg7[%dma_wait3A_170, %dma_wait3A_171] : memref<16x1536xf32, #tpu.memory_space<vmem>> -> memref<16x768xf32, #tpu.memory_space<vmem>>
    tpu.wait_dma2 semaphore(%arg15 : memref<!tpu.dma_semaphore, #tpu.memory_space<semaphore_mem>>) src(%dma_wait3A_172 : memref<16x768xf32, #tpu.memory_space<vmem>>) dst(%dma_wait3A_169 : memref<16x768xf32, #tpu.memory_space<hbm>>)
    %dma_wait3A_173 = arith.constant 0 : i32
    %dma_wait3A_174 = arith.constant 768 : i32
    %dma_wait3A_175 = tpu.memref_slice %arg7[%dma_wait3A_173, %dma_wait3A_174] : memref<16x1536xf32, #tpu.memory_space<vmem>> -> memref<16x768xf32, #tpu.memory_space<vmem>>
    %dma_wait3A_176 = arith.constant 0 : i32
    %dma_wait3A_177 = arith.constant 0 : i32
    %dma_wait3A_178 = tpu.memref_slice %arg4[%add3A_154, %dma_wait3A_176, %dma_wait3A_177] : memref<54x4096x768xf32, #tpu.memory_space<hbm>> -> memref<1x4096x768xf32, #tpu.memory_space<hbm>>
    %dma_wait3A_179 = tpu.memref_squeeze %dma_wait3A_178 : memref<1x4096x768xf32, #tpu.memory_space<hbm>> -> memref<4096x768xf32, #tpu.memory_space<hbm>>
    %dma_wait3A_180 = arith.constant 0 : i32
    %dma_wait3A_181 = tpu.memref_slice %dma_wait3A_179[%mul3A_142, %dma_wait3A_180] : memref<4096x768xf32, #tpu.memory_space<hbm>> -> memref<16x768xf32, #tpu.memory_space<hbm>>
    %dma_wait3A_182 = arith.constant 0 : i32
    %dma_wait3A_183 = arith.constant 0 : i32
    %dma_wait3A_184 = tpu.memref_slice %arg4[%add3A_154, %dma_wait3A_182, %dma_wait3A_183] : memref<54x4096x768xf32, #tpu.memory_space<hbm>> -> memref<1x4096x768xf32, #tpu.memory_space<hbm>>
    %dma_wait3A_185 = tpu.memref_squeeze %dma_wait3A_184 : memref<1x4096x768xf32, #tpu.memory_space<hbm>> -> memref<4096x768xf32, #tpu.memory_space<hbm>>
    %dma_wait3A_186 = arith.constant 0 : i32
    %dma_wait3A_187 = tpu.memref_slice %dma_wait3A_185[%mul3A_142, %dma_wait3A_186] : memref<4096x768xf32, #tpu.memory_space<hbm>> -> memref<16x768xf32, #tpu.memory_space<hbm>>
    %dma_wait3A_188 = arith.constant 0 : i32
    %dma_wait3A_189 = arith.constant 768 : i32
    %dma_wait3A_190 = tpu.memref_slice %arg7[%dma_wait3A_188, %dma_wait3A_189] : memref<16x1536xf32, #tpu.memory_space<vmem>> -> memref<16x768xf32, #tpu.memory_space<vmem>>
    tpu.wait_dma2 semaphore(%arg15 : memref<!tpu.dma_semaphore, #tpu.memory_space<semaphore_mem>>) src(%dma_wait3A_190 : memref<16x768xf32, #tpu.memory_space<vmem>>) dst(%dma_wait3A_187 : memref<16x768xf32, #tpu.memory_space<hbm>>)
    %add3A_191 = arith.constant 206 : i32
    %add3A_192 = arith.addi %mul3A_4, %add3A_191 : i32
    %jit3A_193 = arith.constant 256 : i32
    %div3A_194 = arith.divsi %add3A_192, %jit3A_193 : i32
    %sign3A_195 = arith.constant 0 : i32
    %sign3A_196 = arith.cmpi sgt, %add3A_192, %sign3A_195 : i32
    %sign3A_197 = arith.extui %sign3A_196 : i1 to i32
    %sign3A_198 = arith.constant 0 : i32
    %sign3A_199 = arith.cmpi slt, %add3A_192, %sign3A_198 : i32
    %sign3A_200 = arith.extui %sign3A_199 : i1 to i32
    %sign3A_201 = arith.subi %sign3A_197, %sign3A_200 : i32
    %sign3A_202 = arith.constant 0 : i32
    %sign3A_203 = arith.cmpi sgt, %jit3A_193, %sign3A_202 : i32
    %sign3A_204 = arith.extui %sign3A_203 : i1 to i32
    %sign3A_205 = arith.constant 0 : i32
    %sign3A_206 = arith.cmpi slt, %jit3A_193, %sign3A_205 : i32
    %sign3A_207 = arith.extui %sign3A_206 : i1 to i32
    %sign3A_208 = arith.subi %sign3A_204, %sign3A_207 : i32
    %ne3A_209 = arith.cmpi ne, %sign3A_201, %sign3A_208 : i32
    %rem3A_210 = arith.remsi %add3A_192, %jit3A_193 : i32
    %ne3A_211 = arith.constant 0 : i32
    %ne3A_212 = arith.cmpi ne, %rem3A_210, %ne3A_211 : i32
    %and3A_213 = arith.andi %ne3A_209, %ne3A_212 : i1
    %sub3A_214 = arith.constant 1 : i32
    %sub3A_215 = arith.subi %div3A_194, %sub3A_214 : i32
    %select_n3A_216 = arith.select %and3A_213, %sub3A_215, %div3A_194 : i32
    %jit3A_217 = arith.constant 256 : i32
    %eq3A_218 = arith.constant 0 : i32
    %eq3A_219 = arith.cmpi eq, %jit3A_217, %eq3A_218 : i32
    %jit3A_220 = arith.constant 1 : i32
    %select_n3A_221 = arith.select %eq3A_219, %jit3A_220, %jit3A_217 : i32
    %rem3A_222 = arith.remsi %add3A_192, %select_n3A_221 : i32
    %ne3A_223 = arith.constant 0 : i32
    %ne3A_224 = arith.cmpi ne, %rem3A_222, %ne3A_223 : i32
    %lt3A_225 = arith.constant 0 : i32
    %lt3A_226 = arith.cmpi slt, %rem3A_222, %lt3A_225 : i32
    %lt3A_227 = arith.constant 0 : i32
    %lt3A_228 = arith.cmpi slt, %select_n3A_221, %lt3A_227 : i32
    %ne3A_229 = arith.xori %lt3A_226, %lt3A_228 : i1
    %and3A_230 = arith.andi %ne3A_229, %ne3A_224 : i1
    %add3A_231 = arith.addi %rem3A_222, %select_n3A_221 : i32
    %select_n3A_232 = arith.select %and3A_230, %add3A_231, %rem3A_222 : i32
    %mul3A_233 = arith.constant 16 : i32
    %mul3A_234 = arith.muli %select_n3A_232, %mul3A_233 : i32
    %mul3A_235 = arith.constant 2 : i32
    %mul3A_236 = arith.muli %mul3A_235, %select_n3A_216 : i32
    %add3A_237 = arith.constant 2 : i32
    %add3A_238 = arith.addi %add3A_237, %mul3A_236 : i32
    %add3A_239 = arith.constant 0 : i32
    %add3A_240 = arith.addi %add3A_238, %add3A_239 : i32
    %mul3A_241 = arith.constant 2 : i32
    %mul3A_242 = arith.muli %mul3A_241, %select_n3A_216 : i32
    %add3A_243 = arith.constant 2 : i32
    %add3A_244 = arith.addi %add3A_243, %mul3A_242 : i32
    %add3A_245 = arith.constant 1 : i32
    %add3A_246 = arith.addi %add3A_244, %add3A_245 : i32
    %dma_wait3A_247 = arith.constant 0 : i32
    %dma_wait3A_248 = arith.constant 0 : i32
    %dma_wait3A_249 = tpu.memref_slice %arg8[%dma_wait3A_247, %dma_wait3A_248] : memref<16x1536xf32, #tpu.memory_space<vmem>> -> memref<16x768xf32, #tpu.memory_space<vmem>>
    %dma_wait3A_250 = arith.constant 0 : i32
    %dma_wait3A_251 = arith.constant 0 : i32
    %dma_wait3A_252 = tpu.memref_slice %arg4[%add3A_240, %dma_wait3A_250, %dma_wait3A_251] : memref<54x4096x768xf32, #tpu.memory_space<hbm>> -> memref<1x4096x768xf32, #tpu.memory_space<hbm>>
    %dma_wait3A_253 = tpu.memref_squeeze %dma_wait3A_252 : memref<1x4096x768xf32, #tpu.memory_space<hbm>> -> memref<4096x768xf32, #tpu.memory_space<hbm>>
    %dma_wait3A_254 = arith.constant 0 : i32
    %dma_wait3A_255 = tpu.memref_slice %dma_wait3A_253[%mul3A_234, %dma_wait3A_254] : memref<4096x768xf32, #tpu.memory_space<hbm>> -> memref<16x768xf32, #tpu.memory_space<hbm>>
    %dma_wait3A_256 = arith.constant 0 : i32
    %dma_wait3A_257 = arith.constant 0 : i32
    %dma_wait3A_258 = tpu.memref_slice %arg4[%add3A_240, %dma_wait3A_256, %dma_wait3A_257] : memref<54x4096x768xf32, #tpu.memory_space<hbm>> -> memref<1x4096x768xf32, #tpu.memory_space<hbm>>
    %dma_wait3A_259 = tpu.memref_squeeze %dma_wait3A_258 : memref<1x4096x768xf32, #tpu.memory_space<hbm>> -> memref<4096x768xf32, #tpu.memory_space<hbm>>
    %dma_wait3A_260 = arith.constant 0 : i32
    %dma_wait3A_261 = tpu.memref_slice %dma_wait3A_259[%mul3A_234, %dma_wait3A_260] : memref<4096x768xf32, #tpu.memory_space<hbm>> -> memref<16x768xf32, #tpu.memory_space<hbm>>
    %dma_wait3A_262 = arith.constant 0 : i32
    %dma_wait3A_263 = arith.constant 0 : i32
    %dma_wait3A_264 = tpu.memref_slice %arg8[%dma_wait3A_262, %dma_wait3A_263] : memref<16x1536xf32, #tpu.memory_space<vmem>> -> memref<16x768xf32, #tpu.memory_space<vmem>>
    tpu.wait_dma2 semaphore(%arg16 : memref<!tpu.dma_semaphore, #tpu.memory_space<semaphore_mem>>) src(%dma_wait3A_264 : memref<16x768xf32, #tpu.memory_space<vmem>>) dst(%dma_wait3A_261 : memref<16x768xf32, #tpu.memory_space<hbm>>)
    %dma_wait3A_265 = arith.constant 0 : i32
    %dma_wait3A_266 = arith.constant 768 : i32
    %dma_wait3A_267 = tpu.memref_slice %arg8[%dma_wait3A_265, %dma_wait3A_266] : memref<16x1536xf32, #tpu.memory_space<vmem>> -> memref<16x768xf32, #tpu.memory_space<vmem>>
    %dma_wait3A_268 = arith.constant 0 : i32
    %dma_wait3A_269 = arith.constant 0 : i32
    %dma_wait3A_270 = tpu.memref_slice %arg4[%add3A_246, %dma_wait3A_268, %dma_wait3A_269] : memref<54x4096x768xf32, #tpu.memory_space<hbm>> -> memref<1x4096x768xf32, #tpu.memory_space<hbm>>
    %dma_wait3A_271 = tpu.memref_squeeze %dma_wait3A_270 : memref<1x4096x768xf32, #tpu.memory_space<hbm>> -> memref<4096x768xf32, #tpu.memory_space<hbm>>
    %dma_wait3A_272 = arith.constant 0 : i32
    %dma_wait3A_273 = tpu.memref_slice %dma_wait3A_271[%mul3A_234, %dma_wait3A_272] : memref<4096x768xf32, #tpu.memory_space<hbm>> -> memref<16x768xf32, #tpu.memory_space<hbm>>
    %dma_wait3A_274 = arith.constant 0 : i32
    %dma_wait3A_275 = arith.constant 0 : i32
    %dma_wait3A_276 = tpu.memref_slice %arg4[%add3A_246, %dma_wait3A_274, %dma_wait3A_275] : memref<54x4096x768xf32, #tpu.memory_space<hbm>> -> memref<1x4096x768xf32, #tpu.memory_space<hbm>>
    %dma_wait3A_277 = tpu.memref_squeeze %dma_wait3A_276 : memref<1x4096x768xf32, #tpu.memory_space<hbm>> -> memref<4096x768xf32, #tpu.memory_space<hbm>>
    %dma_wait3A_278 = arith.constant 0 : i32
    %dma_wait3A_279 = tpu.memref_slice %dma_wait3A_277[%mul3A_234, %dma_wait3A_278] : memref<4096x768xf32, #tpu.memory_space<hbm>> -> memref<16x768xf32, #tpu.memory_space<hbm>>
    %dma_wait3A_280 = arith.constant 0 : i32
    %dma_wait3A_281 = arith.constant 768 : i32
    %dma_wait3A_282 = tpu.memref_slice %arg8[%dma_wait3A_280, %dma_wait3A_281] : memref<16x1536xf32, #tpu.memory_space<vmem>> -> memref<16x768xf32, #tpu.memory_space<vmem>>
    tpu.wait_dma2 semaphore(%arg16 : memref<!tpu.dma_semaphore, #tpu.memory_space<semaphore_mem>>) src(%dma_wait3A_282 : memref<16x768xf32, #tpu.memory_space<vmem>>) dst(%dma_wait3A_279 : memref<16x768xf32, #tpu.memory_space<hbm>>)
    %add3A_283 = arith.constant 207 : i32
    %add3A_284 = arith.addi %mul3A_4, %add3A_283 : i32
    %jit3A_285 = arith.constant 256 : i32
    %div3A_286 = arith.divsi %add3A_284, %jit3A_285 : i32
    %sign3A_287 = arith.constant 0 : i32
    %sign3A_288 = arith.cmpi sgt, %add3A_284, %sign3A_287 : i32
    %sign3A_289 = arith.extui %sign3A_288 : i1 to i32
    %sign3A_290 = arith.constant 0 : i32
    %sign3A_291 = arith.cmpi slt, %add3A_284, %sign3A_290 : i32
    %sign3A_292 = arith.extui %sign3A_291 : i1 to i32
    %sign3A_293 = arith.subi %sign3A_289, %sign3A_292 : i32
    %sign3A_294 = arith.constant 0 : i32
    %sign3A_295 = arith.cmpi sgt, %jit3A_285, %sign3A_294 : i32
    %sign3A_296 = arith.extui %sign3A_295 : i1 to i32
    %sign3A_297 = arith.constant 0 : i32
    %sign3A_298 = arith.cmpi slt, %jit3A_285, %sign3A_297 : i32
    %sign3A_299 = arith.extui %sign3A_298 : i1 to i32
    %sign3A_300 = arith.subi %sign3A_296, %sign3A_299 : i32
    %ne3A_301 = arith.cmpi ne, %sign3A_293, %sign3A_300 : i32
    %rem3A_302 = arith.remsi %add3A_284, %jit3A_285 : i32
    %ne3A_303 = arith.constant 0 : i32
    %ne3A_304 = arith.cmpi ne, %rem3A_302, %ne3A_303 : i32
    %and3A_305 = arith.andi %ne3A_301, %ne3A_304 : i1
    %sub3A_306 = arith.constant 1 : i32
    %sub3A_307 = arith.subi %div3A_286, %sub3A_306 : i32
    %select_n3A_308 = arith.select %and3A_305, %sub3A_307, %div3A_286 : i32
    %jit3A_309 = arith.constant 256 : i32
    %eq3A_310 = arith.constant 0 : i32
    %eq3A_311 = arith.cmpi eq, %jit3A_309, %eq3A_310 : i32
    %jit3A_312 = arith.constant 1 : i32
    %select_n3A_313 = arith.select %eq3A_311, %jit3A_312, %jit3A_309 : i32
    %rem3A_314 = arith.remsi %add3A_284, %select_n3A_313 : i32
    %ne3A_315 = arith.constant 0 : i32
    %ne3A_316 = arith.cmpi ne, %rem3A_314, %ne3A_315 : i32
    %lt3A_317 = arith.constant 0 : i32
    %lt3A_318 = arith.cmpi slt, %rem3A_314, %lt3A_317 : i32
    %lt3A_319 = arith.constant 0 : i32
    %lt3A_320 = arith.cmpi slt, %select_n3A_313, %lt3A_319 : i32
    %ne3A_321 = arith.xori %lt3A_318, %lt3A_320 : i1
    %and3A_322 = arith.andi %ne3A_321, %ne3A_316 : i1
    %add3A_323 = arith.addi %rem3A_314, %select_n3A_313 : i32
    %select_n3A_324 = arith.select %and3A_322, %add3A_323, %rem3A_314 : i32
    %mul3A_325 = arith.constant 16 : i32
    %mul3A_326 = arith.muli %select_n3A_324, %mul3A_325 : i32
    %mul3A_327 = arith.constant 2 : i32
    %mul3A_328 = arith.muli %mul3A_327, %select_n3A_308 : i32
    %add3A_329 = arith.constant 2 : i32
    %add3A_330 = arith.addi %add3A_329, %mul3A_328 : i32
    %add3A_331 = arith.constant 0 : i32
    %add3A_332 = arith.addi %add3A_330, %add3A_331 : i32
    %mul3A_333 = arith.constant 2 : i32
    %mul3A_334 = arith.muli %mul3A_333, %select_n3A_308 : i32
    %add3A_335 = arith.constant 2 : i32
    %add3A_336 = arith.addi %add3A_335, %mul3A_334 : i32
    %add3A_337 = arith.constant 1 : i32
    %add3A_338 = arith.addi %add3A_336, %add3A_337 : i32
    %dma_wait3A_339 = arith.constant 0 : i32
    %dma_wait3A_340 = arith.constant 0 : i32
    %dma_wait3A_341 = tpu.memref_slice %arg9[%dma_wait3A_339, %dma_wait3A_340] : memref<16x1536xf32, #tpu.memory_space<vmem>> -> memref<16x768xf32, #tpu.memory_space<vmem>>
    %dma_wait3A_342 = arith.constant 0 : i32
    %dma_wait3A_343 = arith.constant 0 : i32
    %dma_wait3A_344 = tpu.memref_slice %arg4[%add3A_332, %dma_wait3A_342, %dma_wait3A_343] : memref<54x4096x768xf32, #tpu.memory_space<hbm>> -> memref<1x4096x768xf32, #tpu.memory_space<hbm>>
    %dma_wait3A_345 = tpu.memref_squeeze %dma_wait3A_344 : memref<1x4096x768xf32, #tpu.memory_space<hbm>> -> memref<4096x768xf32, #tpu.memory_space<hbm>>
    %dma_wait3A_346 = arith.constant 0 : i32
    %dma_wait3A_347 = tpu.memref_slice %dma_wait3A_345[%mul3A_326, %dma_wait3A_346] : memref<4096x768xf32, #tpu.memory_space<hbm>> -> memref<16x768xf32, #tpu.memory_space<hbm>>
    %dma_wait3A_348 = arith.constant 0 : i32
    %dma_wait3A_349 = arith.constant 0 : i32
    %dma_wait3A_350 = tpu.memref_slice %arg4[%add3A_332, %dma_wait3A_348, %dma_wait3A_349] : memref<54x4096x768xf32, #tpu.memory_space<hbm>> -> memref<1x4096x768xf32, #tpu.memory_space<hbm>>
    %dma_wait3A_351 = tpu.memref_squeeze %dma_wait3A_350 : memref<1x4096x768xf32, #tpu.memory_space<hbm>> -> memref<4096x768xf32, #tpu.memory_space<hbm>>
    %dma_wait3A_352 = arith.constant 0 : i32
    %dma_wait3A_353 = tpu.memref_slice %dma_wait3A_351[%mul3A_326, %dma_wait3A_352] : memref<4096x768xf32, #tpu.memory_space<hbm>> -> memref<16x768xf32, #tpu.memory_space<hbm>>
    %dma_wait3A_354 = arith.constant 0 : i32
    %dma_wait3A_355 = arith.constant 0 : i32
    %dma_wait3A_356 = tpu.memref_slice %arg9[%dma_wait3A_354, %dma_wait3A_355] : memref<16x1536xf32, #tpu.memory_space<vmem>> -> memref<16x768xf32, #tpu.memory_space<vmem>>
    tpu.wait_dma2 semaphore(%arg17 : memref<!tpu.dma_semaphore, #tpu.memory_space<semaphore_mem>>) src(%dma_wait3A_356 : memref<16x768xf32, #tpu.memory_space<vmem>>) dst(%dma_wait3A_353 : memref<16x768xf32, #tpu.memory_space<hbm>>)
    %dma_wait3A_357 = arith.constant 0 : i32
    %dma_wait3A_358 = arith.constant 768 : i32
    %dma_wait3A_359 = tpu.memref_slice %arg9[%dma_wait3A_357, %dma_wait3A_358] : memref<16x1536xf32, #tpu.memory_space<vmem>> -> memref<16x768xf32, #tpu.memory_space<vmem>>
    %dma_wait3A_360 = arith.constant 0 : i32
    %dma_wait3A_361 = arith.constant 0 : i32
    %dma_wait3A_362 = tpu.memref_slice %arg4[%add3A_338, %dma_wait3A_360, %dma_wait3A_361] : memref<54x4096x768xf32, #tpu.memory_space<hbm>> -> memref<1x4096x768xf32, #tpu.memory_space<hbm>>
    %dma_wait3A_363 = tpu.memref_squeeze %dma_wait3A_362 : memref<1x4096x768xf32, #tpu.memory_space<hbm>> -> memref<4096x768xf32, #tpu.memory_space<hbm>>
    %dma_wait3A_364 = arith.constant 0 : i32
    %dma_wait3A_365 = tpu.memref_slice %dma_wait3A_363[%mul3A_326, %dma_wait3A_364] : memref<4096x768xf32, #tpu.memory_space<hbm>> -> memref<16x768xf32, #tpu.memory_space<hbm>>
    %dma_wait3A_366 = arith.constant 0 : i32
    %dma_wait3A_367 = arith.constant 0 : i32
    %dma_wait3A_368 = tpu.memref_slice %arg4[%add3A_338, %dma_wait3A_366, %dma_wait3A_367] : memref<54x4096x768xf32, #tpu.memory_space<hbm>> -> memref<1x4096x768xf32, #tpu.memory_space<hbm>>
    %dma_wait3A_369 = tpu.memref_squeeze %dma_wait3A_368 : memref<1x4096x768xf32, #tpu.memory_space<hbm>> -> memref<4096x768xf32, #tpu.memory_space<hbm>>
    %dma_wait3A_370 = arith.constant 0 : i32
    %dma_wait3A_371 = tpu.memref_slice %dma_wait3A_369[%mul3A_326, %dma_wait3A_370] : memref<4096x768xf32, #tpu.memory_space<hbm>> -> memref<16x768xf32, #tpu.memory_space<hbm>>
    %dma_wait3A_372 = arith.constant 0 : i32
    %dma_wait3A_373 = arith.constant 768 : i32
    %dma_wait3A_374 = tpu.memref_slice %arg9[%dma_wait3A_372, %dma_wait3A_373] : memref<16x1536xf32, #tpu.memory_space<vmem>> -> memref<16x768xf32, #tpu.memory_space<vmem>>
    tpu.wait_dma2 semaphore(%arg17 : memref<!tpu.dma_semaphore, #tpu.memory_space<semaphore_mem>>) src(%dma_wait3A_374 : memref<16x768xf32, #tpu.memory_space<vmem>>) dst(%dma_wait3A_371 : memref<16x768xf32, #tpu.memory_space<hbm>>)
    return
  }
}

module attributes {stable_mosaic.version = 14 : i64} {
  func.func @_num_body(%arg0: i32, %arg1: memref<1x8x768xf32, #tpu.memory_space<vmem>>, %arg2: memref<512x1xf32, #tpu.memory_space<vmem>>, %arg3: memref<2x768xf32, #tpu.memory_space<vmem>>, %arg4: memref<2x768xf32, #tpu.memory_space<vmem>>, %arg5: memref<2x512x768xf32, #tpu.memory_space<vmem>>) attributes {dimension_semantics = [#tpu.dimension_semantics<arbitrary>], iteration_bounds = array<i64: 8>, scalar_prefetch = 0 : i64, scratch_operands = 0 : i64, tpu.core_type = #tpu.core_type<tc>, window_params = [{transform_indices = @transform_0, window_bounds = array<i64: 1, 8, 768>}, {transform_indices = @transform_1, window_bounds = array<i64: 512, 1>}, {pipeline_mode = #tpu.pipeline_mode<synchronous>, transform_indices = @transform_2, window_bounds = array<i64: 2, 768>}, {pipeline_mode = #tpu.pipeline_mode<synchronous>, transform_indices = @transform_3, window_bounds = array<i64: 2, 768>}, {transform_indices = @transform_4, window_bounds = array<i64: 2, 512, 768>}]} {
    %get3A = arith.constant 0 : index
    %get3A_0 = arith.constant 0 : index
    %get3A_1 = vector.load %arg2[%get3A, %get3A_0] : memref<512x1xf32, #tpu.memory_space<vmem>>, vector<512x1xf32>
    %get3A_2 = arith.constant 0 : index
    %get3A_3 = arith.constant 0 : index
    %get3A_4 = vector.load %arg3[%get3A_2, %get3A_3] : memref<2x768xf32, #tpu.memory_space<vmem>>, vector<1x768xf32>
    %mul3A = vector.broadcast %get3A_1 : vector<512x1xf32> to vector<512x768xf32>
    %mul3A_5 = vector.broadcast %get3A_4 : vector<1x768xf32> to vector<512x768xf32>
    %mul3A_6 = arith.mulf %mul3A, %mul3A_5 : vector<512x768xf32>
    %get3A_7 = arith.constant 0 : index
    %get3A_8 = arith.constant 0 : index
    %get3A_9 = vector.load %arg4[%get3A_7, %get3A_8] : memref<2x768xf32, #tpu.memory_space<vmem>>, vector<1x768xf32>
    %add3A = vector.broadcast %get3A_9 : vector<1x768xf32> to vector<512x768xf32>
    %add3A_10 = arith.addf %mul3A_6, %add3A : vector<512x768xf32>
    %swap3A = arith.constant 0 : index
    %swap3A_11 = arith.constant 0 : index
    %swap3A_12 = arith.constant 0 : index
    %swap3A_13 = vector.load %arg5[%swap3A, %swap3A_11, %swap3A_12] : memref<2x512x768xf32, #tpu.memory_space<vmem>>, vector<1x512x768xf32>
    %swap3A_14 = vector.shape_cast %swap3A_13 : vector<1x512x768xf32> to vector<512x768xf32>
    %swap3A_15 = vector.shape_cast %add3A_10 : vector<512x768xf32> to vector<1x512x768xf32>
    tpu.vector_store %arg5[%swap3A, %swap3A_11, %swap3A_12], %swap3A_15 {strides = array<i32>} : memref<2x512x768xf32, #tpu.memory_space<vmem>>, vector<1x512x768xf32>,
    %get3A_16 = arith.constant 0 : index
    %get3A_17 = arith.constant 0 : index
    %get3A_18 = vector.load %arg2[%get3A_16, %get3A_17] : memref<512x1xf32, #tpu.memory_space<vmem>>, vector<512x1xf32>
    %get3A_19 = arith.constant 1 : index
    %get3A_20 = arith.constant 0 : index
    %get3A_21 = vector.load %arg3[%get3A_19, %get3A_20] : memref<2x768xf32, #tpu.memory_space<vmem>>, vector<1x768xf32>
    %mul3A_22 = vector.broadcast %get3A_18 : vector<512x1xf32> to vector<512x768xf32>
    %mul3A_23 = vector.broadcast %get3A_21 : vector<1x768xf32> to vector<512x768xf32>
    %mul3A_24 = arith.mulf %mul3A_22, %mul3A_23 : vector<512x768xf32>
    %get3A_25 = arith.constant 1 : index
    %get3A_26 = arith.constant 0 : index
    %get3A_27 = vector.load %arg4[%get3A_25, %get3A_26] : memref<2x768xf32, #tpu.memory_space<vmem>>, vector<1x768xf32>
    %add3A_28 = vector.broadcast %get3A_27 : vector<1x768xf32> to vector<512x768xf32>
    %add3A_29 = arith.addf %mul3A_24, %add3A_28 : vector<512x768xf32>
    %swap3A_30 = arith.constant 1 : index
    %swap3A_31 = arith.constant 0 : index
    %swap3A_32 = arith.constant 0 : index
    %swap3A_33 = vector.load %arg5[%swap3A_30, %swap3A_31, %swap3A_32] : memref<2x512x768xf32, #tpu.memory_space<vmem>>, vector<1x512x768xf32>
    %swap3A_34 = vector.shape_cast %swap3A_33 : vector<1x512x768xf32> to vector<512x768xf32>
    %swap3A_35 = vector.shape_cast %add3A_29 : vector<512x768xf32> to vector<1x512x768xf32>
    tpu.vector_store %arg5[%swap3A_30, %swap3A_31, %swap3A_32], %swap3A_35 {strides = array<i32>} : memref<2x512x768xf32, #tpu.memory_space<vmem>>, vector<1x512x768xf32>,
    return
  }
  func.func @transform_0(%arg0: i32) -> (i32, i32, i32) {
    %c0_i32 = arith.constant 0 : i32
    %c0_i32_0 = arith.constant 0 : i32
    %c0_i32_1 = arith.constant 0 : i32
    %c0_i32_2 = arith.constant 0 : i32
    return %c0_i32, %c0_i32_0, %c0_i32_1 : i32, i32, i32
  }
  func.func @transform_1(%arg0: i32) -> (i32, i32) {
    %c0_i32 = arith.constant 0 : i32
    %c0_i32_0 = arith.constant 0 : i32
    return %arg0, %c0_i32 : i32, i32
  }
  func.func @transform_2(%arg0: i32) -> (i32, i32) {
    %c0_i32 = arith.constant 0 : i32
    %c0_i32_0 = arith.constant 0 : i32
    %c0_i32_1 = arith.constant 0 : i32
    return %c0_i32, %c0_i32_0 : i32, i32
  }
  func.func @transform_3(%arg0: i32) -> (i32, i32) {
    %c0_i32 = arith.constant 0 : i32
    %c0_i32_0 = arith.constant 0 : i32
    %c0_i32_1 = arith.constant 0 : i32
    return %c0_i32, %c0_i32_0 : i32, i32
  }
  func.func @transform_4(%arg0: i32) -> (i32, i32, i32) {
    %c0_i32 = arith.constant 0 : i32
    %c0_i32_0 = arith.constant 0 : i32
    %c0_i32_1 = arith.constant 0 : i32
    return %c0_i32, %arg0, %c0_i32_0 : i32, i32, i32
  }
}

</mosaic_0001>

<sc_bundles>
// kernel: kernel.4.cloned.1.call-start
scs
__scs_entry_jumppad:
0x0: {  	(pc) =	sbr.rel $0x88, $3  }
0x1: {  	(tag) =	ssettag $0x0;
	lr =	simm.s32 $0x1  }
0x2: {  	[smem:$0x3F9C] =	sst lr;
	_ =	strace $0xD0000000  }
0x3: {  	_ = 	snop  }
0x4: {  	_ = 	snop  }
0x5: {  	_ = 	snop  }
0x6: {  	_ = 	snop  }
0x7: {  	_ = 	snop  }
__scs_overlays_trampoline_lowered:
0x8: {  	[smem:$0x3FAB] =	sst s0  }
0x9: {  	[smem:$0x3FAC] =	sst s1  }
0xa: {  	[smem:$0x3FAD] =	sst s2  }
0xb: {  	[smem:$0x3FAE] =	sst s3  }
0xc: {  	[smem:$0x3FAF] =	sst s4  }
0xd: {  	[smem:$0x3FB0] =	sst s5  }
0xe: {  	[smem:$0x3FB1] =	sst s6  }
0xf: {  	[smem:$0x3FB2] =	sst s7  }
0x10: {  	[smem:$0x3FB3] =	sst s8  }
0x11: {  	[smem:$0x3FB4] =	sst s9;
	s0 =	simm.s32 @!p0 $0x0  }
0x12: {  	s1 =	sld [smem:$0x3F9A];
	s0 =	simm.s32 @p0 $0x1  }
0x13: {  	[smem:$0x3FB5] =	sst s0;
	s0 =	simm.s32 @!p1 $0x0  }
0x14: {  	s2 =	sld [smem:$0x3F99];
	s0 =	simm.s32 @p1 $0x1  }
0x15: {  	[smem:$0x3FB6] =	sst s0;
	s0 =	simm.s32 @!p2 $0x0  }
0x16: {  	s3 =	sld [smem:$0x3FDB];
	s0 =	simm.s32 @p2 $0x1  }
0x17: {  	s4 =	simm.s32 $0x1BF5;
	[smem:$0x3FB8] =	sst s0  }
0x18: {  	s0 =	sld [smem:$0x3F9B];
	_ =	swait.ge [sflag:s4], $0x0  }
0x19: {  	s7 =	sld [smem:$0x3F9C]  }
0x1a: {  	s8 =	sadd.s32 $0xFFFFE003, lr  }
0x1b: {  	s9 =	sadd.s32 $0xFFFFFEF7, lr;
	s5 =	simm.s32 $0xFFFFFFFF;
	p2 =	slt.u32 s8, $0xFFFFF086  }
0x1c: {  	p1 =	slt.u32 s9, $0xF7A;
	s5 =	simm.s32 @!p2 $0x0  }
0x1d: {  	s5 =	simm.s32 @p1 $0x1;
	p0 =	seq.s32 s7, s2  }
0x1e: {  	s7 =	smul.u32 @!p0 $0xF7A, s2;
	p2 =	seq.s32 @!p0 s5, $0x0  }
0x1f: {  	s9 =	smul.u32 $0xF7A, s1;
	s8 =	simm.s32 @!p0 $0x1BF5;
	p2 =	por !p2, p0  }
0x20: {  	[sflag:s8] =	ssyncset.s32 @!p0 $0xFFFFF086;
	s6 =	sadd.s32 @!p0 s3, s7;
	s7 =	simm.s32 @!p0 $0x108  }
0x21: {  	s3 =	sadd.s32 s3, s9;
	s6 =	sadd.s32 @!p0 $0x88, s6;
	s7 =	simm.s32 @p2 $0x1082  }
0x22: {  	[simem:s7], [sflag:s8] =	dma.local @!p0 [hbm:s6], $0xF7A  }
0x23: {  	s9 =	sor.u32 $0xD0000000, s2;
	s6 =	simm.s32 $0x108;
	_ =	swait.ge @!p0 [sflag:s8], $0x0  }
0x24: {  	s3 =	sadd.s32 $0x88, s3;
	s6 =	simm.s32 @!p1 $0x1082;
	[sflag:s4] =	ssyncset.s32 $0xFFFFF086  }
0x25: {  	[simem:s6], [sflag:s4] =	dma.local [hbm:s3], $0xF7A  }
0x26: {  	[smem:$0x3F9C] =	sst s1;
	(tag) =	ssettag s2;
	_ =	strace s9  }
0x27: {  	s1 =	sld [smem:$0x3FAC]  }
0x28: {  	s2 =	sld [smem:$0x3FAD]  }
0x29: {  	s4 =	sld [smem:$0x3FAF]  }
0x2a: {  	p0 =	seq.s32 s5, $0x0;
	s5 =	sld [smem:$0x3FB0]  }
0x2b: {  	s6 =	sld [smem:$0x3FB1]  }
0x2c: {  	s7 =	sld [smem:$0x3FB2]  }
0x2d: {  	s3 =	simm.s32 $0x108;
	s8 =	sld [smem:$0x3FB3]  }
0x2e: {  	s3 =	simm.s32 @!p0 $0x1082;
	s9 =	sld [smem:$0x3FB4]  }
0x2f: {  	lr =	sadd.s32 s0, s3;
	s0 =	sld [smem:$0x3FAB]  }
0x30: {  	s3 =	sld [smem:$0x3FAE]  }
0x31: {  	[smem:$0x3FB7] =	sst s10  }
0x32: {  	s10 =	sld [smem:$0x3FB5];
	_ =	sdelay $0x3  }
0x33: {  	p0 =	seq.s32 s10, $0x1;
	s10 =	sld [smem:$0x3FB7];
	_ =	sdelay $0x3  }
0x34: {  	[smem:$0x3FB7] =	sst s10  }
0x35: {  	s10 =	sld [smem:$0x3FB6];
	_ =	sdelay $0x3  }
0x36: {  	p1 =	seq.s32 s10, $0x1;
	s10 =	sld [smem:$0x3FB7];
	_ =	sdelay $0x3  }
0x37: {  	[smem:$0x3FB7] =	sst s10  }
0x38: {  	s10 =	sld [smem:$0x3FB8]  }
0x39: {  	_ = 	snop;
	(pc) =	sbr.ind lr, $3  }
0x3a: {  	_ = 	snop  }
0x3b: {  	_ = 	snop  }
0x3c: {  	p2 =	seq.s32 s10, $0x1;
	s10 =	sld [smem:$0x3FB7]  }
0x3d: {  	_ =	shalt  }
0x3e: {  	_ =	shalt  }
0x3f: {  	_ =	shalt  }
0x40: {  	_ =	shalt  }
0x41: {  	_ =	shalt  }
0x42: {  	_ =	shalt  }
0x43: {  	_ =	shalt  }
0x44: {  	_ =	shalt  }
0x45: {  	_ =	shalt  }
0x46: {  	_ =	shalt  }
0x47: {  	_ =	shalt  }
0x48: {  	_ =	shalt  }
0x49: {  	_ =	shalt  }
0x4a: {  	_ =	shalt  }
0x4b: {  	_ =	shalt  }
0x4c: {  	_ =	shalt  }
0x4d: {  	_ =	shalt  }
0x4e: {  	_ =	shalt  }
0x4f: {  	_ =	shalt  }
0x50: {  	_ =	shalt  }
0x51: {  	_ =	shalt  }
0x52: {  	_ =	shalt  }
0x53: {  	_ =	shalt  }
0x54: {  	_ =	shalt  }
0x55: {  	_ =	shalt  }
0x56: {  	_ =	shalt  }
0x57: {  	_ =	shalt  }
0x58: {  	_ =	shalt  }
0x59: {  	_ =	shalt  }
0x5a: {  	_ =	shalt  }
0x5b: {  	_ =	shalt  }
0x5c: {  	_ =	shalt  }
0x5d: {  	_ =	shalt  }
0x5e: {  	_ =	shalt  }
0x5f: {  	_ =	shalt  }
0x60: {  	_ =	shalt  }
0x61: {  	_ =	shalt  }
0x62: {  	_ =	shalt  }
0x63: {  	_ =	shalt  }
0x64: {  	_ =	shalt  }
0x65: {  	_ =	shalt  }
0x66: {  	_ =	shalt  }
0x67: {  	_ =	shalt  }
0x68: {  	_ =	shalt  }
0x69: {  	_ =	shalt  }
0x6a: {  	_ =	shalt  }
0x6b: {  	_ =	shalt  }
0x6c: {  	_ =	shalt  }
0x6d: {  	_ =	shalt  }
0x6e: {  	_ =	shalt  }
0x6f: {  	_ =	shalt  }
0x70: {  	_ =	shalt  }
0x71: {  	_ =	shalt  }
0x72: {  	_ =	shalt  }
0x73: {  	_ =	shalt  }
0x74: {  	_ =	shalt  }
0x75: {  	_ =	shalt  }
0x76: {  	_ =	shalt  }
0x77: {  	_ =	shalt  }
0x78: {  	_ =	shalt  }
0x79: {  	_ =	shalt  }
0x7a: {  	_ =	shalt  }
0x7b: {  	_ =	shalt  }
0x7c: {  	_ =	shalt  }
0x7d: {  	_ =	shalt  }
0x7e: {  	_ =	shalt  }
0x7f: {  	_ =	shalt  }
0x80: {  	_ =	shalt  }
0x81: {  	_ =	shalt  }
0x82: {  	_ =	shalt  }
0x83: {  	_ =	shalt  }
0x84: {  	_ =	shalt  }
0x85: {  	_ =	shalt  }
0x86: {  	_ =	shalt  }
0x87: {  	_ =	shalt  }
.Lfunc_end0:
.L_simem_size_0:
called_computation_lowered:
.L_overlay_start_0:
0x88: {  	s2 =	sld [smem:$0x3FD9]  }
0x89: {  	s3 =	sld [smem:$0x3FFE];
	_ =	sdelay $0x1  }
0x8a: {  	s1 =	srdreg.scid  }
0x8b: {  	s0 =	sand.u32 $0x1, s1  }
0x8c: {  	s17 =	sshll.u32 s0, $0xA;
	s2 =	sadd.s32 s3, s2  }
0x8d: {  	s2 =	sadd.s32 s2, s17  }
0x8e: {  	[smem:$0x3FC3] =	sst s2  }
0x8f: {  	_ = 	snop  }
0x90: {  	s2 =	sld [smem:$0x3FC5]  }
0x91: {  	s18 =	sld [smem:$0x3FD0];
	(tm) =	ssettm $0x1  }
0x92: {  	s4 =	sld [smem:$0x3FFB];
	_ =	sdelay $0x3  }
0x93: {  	_ =	strace s4  }
0x94: {  	s4 =	sld [smem:$0x3FFC];
	_ =	sdelay $0x3  }
0x95: {  	_ =	strace s4  }
0x96: {  	s4 =	sld [smem:$0x3FFD];
	_ =	sdelay $0x3  }
0x97: {  	_ =	strace s4  }
0x98: {  	_ =	strace $0x8FFFFFFF  }
0x99: {  	s19 =	sld [smem:$0x3FDB];
	_ =	sdelay $0x1  }
0x9a: {  	s5 =	simm.s32 $_scs_section_size  }
0x9b: {  	s6 =	simm.s32 $_size__tile_overlayer_lowered;
	s7 =	simm.s32 $_tile_overlayer_lowered  }
0x9c: {  	s22 =	simm.s32 $0x1BFF;
	s21 =	sshll.u32 s7, $0x1;
	s4 =	sadd.s32 s5, s19  }
0x9d: {  	s8 =	simm.s32 $0x0;
	s20 =	sshll.u32 s6, $0x1;
	s6 =	sadd.s32 s21, s4  }
0x9e: {  	[timem:s8], [sflag:s22] =	dma.local [hbm:s6], s20  }
0x9f: {  	_ =	swait.ge [sflag:s22], s20  }
0xa0: {  	s5 =	ssub.s32 $0x0, s20;
	[sflag:s22] =	ssyncset.done $0x0  }
0xa1: {  	[sflag:s22] =	ssyncadd.s32 s5;
	_ =	sdelay $0x1  }
0xa2: {  	s23 =	simm.s32 $0x1B8B  }
0xa3: {  	_ =	swait.ge [sflag:s23], $0x1  }
0xa4: {  	[sflag:s23] =	ssyncset.done $0x0  }
0xa5: {  	s25 =	simm.s32 $0x1B8E;
	s24 =	sld [smem:$0x3FFE];
	[sflag:s23] =	ssyncadd.s32 $0xFFFFFFFF  }
0xa6: {  	s26 =	simm.s32 $execute0_lowered;
	[smem:$0x3FD2] =	sst s25  }
0xa7: {  	s6 =	sshll.u32 s26, $0x1;
	_ =	strace $0x80000046;
	[dreg:$0x1] =	wrdreg $0xFFFFFFFF  }
0xa8: {  	s28 =	simm.s32 $_size_execute0_lowered;
	s4 =	sadd.s32 s4, s6;
	[dreg:$0x0] =	wrdreg $0x0  }
0xa9: {  	s6 =	sshll.u32 s28, $0x1;
	[dreg:$0x2] =	wrdreg s4  }
0xaa: {  	[dreg:$0x3] =	wrdreg s6  }
0xab: {  	[dreg:$0x4] =	wrdreg $0xC0  }
0xac: {  	_ =	task [dreg:s8], $0x5FFFF  }
0xad: {  	[dreg:$0x1] =	wrdreg $0xFFFFFFFF  }
0xae: {  	[dreg:$0x0] =	wrdreg $0x60  }
0xaf: {  	[dreg:$0x2] =	wrdreg s2  }
0xb0: {  	[dreg:$0x3] =	wrdreg s24  }
0xb1: {  	[dreg:$0x4] =	wrdreg s18  }
0xb2: {  	[dreg:$0x5] =	wrdreg $0x9  }
0xb3: {  	_ =	task.clear_ibuf [dreg:s8], $0x6FFFF;
	_ =	strace $0x90000046  }
0xb4: {  	s29 =	simm.s32 $0x9;
	_ =	strace $0x80000048  }
0xb5: {  	_ =	swait.ge [sflag:s29], $0x1  }
0xb6: {  	[sflag:s29] =	ssyncadd.s32 $0xFFFFFFFF  }
0xb7: {  	_ =	strace $0x90000048  }
0xb8: {  	_ =	sfence  }
0xb9: {  	s30 =	sld [smem:$0x0];
	_ =	sdelay $0x2  }
0xba: {  	s31 =	sshll.u32 s1, $0xD;
	s1 =	sshrl.u32 s1, $0x2  }
0xbb: {  	s3 =	sand.u32 $0x4000, s31;
	s1 =	sadd.s32 s1, s30  }
0xbc: {  	s0 =	sor.u32 s3, s0;
	s1 =	sshll.u32 s1, $0x11  }
0xbd: {  	s0 =	sor.u32 s1, s0  }
0xbe: {  	s0 =	sadd.s32 $0x8F2B, s0  }
0xbf: {  	[sflag:s0] =	ssyncadd.remote.s32 $0x1  }
0xc0: {  	_ =	sfence.sel $0xFFFF  }
0xc1: {  	[dreg:$0x0] =	wrdreg $0xFFFFFFFF;
	(pc) =	sbr.abs _section_cstart, $3  }
0xc2: {  	[dreg:$0x1] =	wrdreg $0xFFFFFFFF  }
0xc3: {  	_ =	task.clear_ibuf [dreg:s8], $0x2FFFF;
	_ =	strace $0x9FFFFFFF  }
0xc4: {  	(tm) =	ssettm $0x7FFFFFFF  }
0xc5: {  	_ =	shalt  }
tec
execute0_lowered:
.L_overlay_start_1:
0x0: {  	(tag) =	ssettag $0x1  }
0x1: {  	s1 =	rddreg [dreg:$0x0]  }
0x2: {  	s0 =	rddreg [dreg:$0x1];
	s2 =	srdreg.scid  }
0x3: {  	s8 =	stileid.u32;
	s3 =	rddreg [dreg:$0x2];
	s4 =	simm.s32 $0x0  }
0x4: {  	s21 =	simm.s32 $0x8500;
	s16 =	simm.s32 $0x9D00;
	s20 =	simm.s32 $0xB500  }
0x5: {  	s25 =	simm.s32 $0x1;
	s13 =	simm.s32 $0xE500;
	s29 =	simm.s32 $0xFD00  }
0x6: {  	s17 =	simm.s32 $0x2;
	s19 =	simm.s32 $0x12D00;
	s23 =	simm.s32 $0x14500  }
0x7: {  	s14 =	simm.s32 $0x15D00;
	s18 =	simm.s32 $0x17500;
	s24 =	simm.s32 $0x3  }
0x8: {  	s22 =	simm.s32 $0x4;
	s15 =	simm.s32 $0x0;
	s2 =	sand.u32 $0x1, s2  }
0x9: {  	s5 =	sshll.u32 s8, $0x1;
	[smem:$0x7FF] =	sst s4;
	s11 =	smul.u32 $0x1A0, s8  }
0xa: {  	s30 =	smul.u32 $0x340, s8;
	s8 =	sadd.s32 $0x300, s1;
	s9 =	sadd.s32 $0x400, s1  }
0xb: {  	s10 =	sadd.s32 $0x500, s1;
	s6 =	ssub.s32 $0x2, s2;
	s12 =	smul.u32 $0xD0, s2  }
0xc: {  	s5 =	sor.u32 s2, s5;
	s2 =	smul.u32 $0x1A0, s2;
	s7 =	sshrl.u32 s6, $0x1  }
0xd: {  	_ =	strace $0x80000047;
	s5 =	smul.u32 $0x1A0, s5;
	s28 =	ssub.s32 s6, s7  }
.Ltmp0:
0xe: {  	s6 =	sadd.s32 $0x100, s1;
	s31 =	sadd.s32 s12, s11;
	(pc) =	sbr.rel .LBB2_1-.Ltmp0, $4  }
0xf: {  	s0 =	sadd.s32 s5, s0;
	s5 =	smax.u32 s28, $0x1;
	[dreg:$0x6] =	wrdreg s31  }
0x10: {  	v2 =	vlaneseq.u32;
	s7 =	sadd.s32 $0x200, s1;
	s0 =	sadd.s32 $0x600, s0;
	[dreg:$0x5] =	wrdreg s5  }
0x11: {  	vm0 =	vmmov $0xffff;
	v1 =	vshrl.u32 v2, $0x3;
	s12 =	simm.s32 $0x6D00;
	[dreg:$0x4] =	wrdreg s0;
	s0 =	sadd.s32 s2, s30  }
0x12: {  	v0 =	vand.u32 $0x7, v2;
	v2 =	vor.u32 $0x8, v2;
	v1 =	vmul.u32 $0x8, v1;
	s5 =	simm.s32 $0x6;
	s2 =	simm.s32 $0x11500;
	[dreg:$0x7] =	wrdreg s0  }
.LBB2_4:
0x13: {  	s0 =	simm.s32 $0x5  }
0x14: {  	_ =	swait.ge [sflag:s0], $0x3000  }
0x15: {  	[sflag:s0] =	ssyncset.done $0x0  }
0x16: {  	[sflag:s0] =	ssyncadd.s32 $0xFFFFD000  }
0x17: {  	_ =	swait.ge [sflag:s0], $0x3000  }
0x18: {  	[sflag:s0] =	ssyncset.done $0x0  }
0x19: {  	[sflag:s0] =	ssyncadd.s32 $0xFFFFD000  }
0x1a: {  	_ =	swait.ge [sflag:s5], $0x3000  }
0x1b: {  	[sflag:s5] =	ssyncset.done $0x0  }
0x1c: {  	[sflag:s5] =	ssyncadd.s32 $0xFFFFD000  }
0x1d: {  	_ =	swait.ge [sflag:s5], $0x3000  }
0x1e: {  	[sflag:s5] =	ssyncset.done $0x0  }
0x1f: {  	s30 =	simm.s32 $0x7;
	[sflag:s5] =	ssyncadd.s32 $0xFFFFD000  }
0x20: {  	_ =	swait.ge [sflag:s30], $0x3000  }
0x21: {  	[sflag:s30] =	ssyncset.done $0x0  }
0x22: {  	[sflag:s30] =	ssyncadd.s32 $0xFFFFD000  }
0x23: {  	_ =	swait.ge [sflag:s30], $0x3000  }
0x24: {  	[sflag:s30] =	ssyncset.done $0x0  }
0x25: {  	s11 =	simm.s32 $0x8;
	[sflag:s30] =	ssyncadd.s32 $0xFFFFD000  }
0x26: {  	_ =	swait.ge [sflag:s11], $0x3000  }
0x27: {  	[sflag:s11] =	ssyncset.done $0x0  }
0x28: {  	[sflag:s11] =	ssyncadd.s32 $0xFFFFD000  }
0x29: {  	_ =	swait.ge [sflag:s11], $0x3000  }
0x2a: {  	s15 =	rddreg [dreg:$0x8]  }
0x2b: {  	s31 =	rddreg [dreg:$0x5];
	s15 =	sadd.s32 $0x1, s15  }
0x2c: {  	p0 =	sne.s32 s15, s31  }
.Ltmp1:
0x2d: {  	_ = 	snop;
	(pc) =	sbr.rel @!p0 .LBB2_5-.Ltmp1, $3  }
0x2e: {  	_ =	sdelay $0x1  }
0x2f: {  	[sflag:s11] =	ssyncset.done $0x0  }
0x30: {  	[sflag:s11] =	ssyncadd.s32 $0xFFFFD000  }
.LBB2_1:
0x31: {  	[dreg:$0x8] =	wrdreg s15  }
0x32: {  	s0 =	rddreg [dreg:$0x4];
	s26 =	simm.s32 $0x9  }
0x33: {  	[tilespmem:s4], [sflag:$0x9] =	stream.linear.gather [hbm4b:s0+s4], $0xD00, $0x38;
	[tilespmem:$0x18D00] =	vst v63  }
0x34: {  	_ =	swait.ge [sflag:s26], $0xD00  }
0x35: {  	[sflag:s26] =	ssyncset.done $0x0  }
0x36: {  	[sflag:s26] =	ssyncadd.s32 $0xFFFFF300  }
0x37: {  	v3 =	vld [tilespmem:$0x0];
	_ =	sdelay $0x4  }
0x38: {  	v4 =	vshrl.u32 v3, $0x3  }
0x39: {  	v4 =	vmul.u32 $0x60, v4  }
0x3a: {  	v3 =	vand.u32 $0x7, v3  }
0x3b: {  	v3 =	vor.u32 v3, v4  }
0x3c: {  	v4 =	vperm.xlane v3, v0;
	_ =	sdelay $0x1  }
0x3d: {  	v4 =	vadd.s32 v1, v4;
	_ =	sdelay $0x3  }
0x3e: {  	s28 =	simm.s32 $0xD00  }
0x3f: {  	[tilespmem:s28], [sflag:$0x1] =	stream.indirect_vreg.gather [hbm4b:s1+s4], $0x80, v4, vm0, $0xb8;
	[tilespmem:$0x18D00] =	vst v63  }
0x40: {  	s11 =	simm.s32 $0x1500  }
0x41: {  	[tilespmem:s11], [sflag:$0x1] =	stream.indirect_vreg.gather [hbm4b:s6+s4], $0x80, v4, vm0, $0xb8;
	[tilespmem:$0x18D00] =	vst v63  }
0x42: {  	s15 =	simm.s32 $0x1D00  }
0x43: {  	[tilespmem:s15], [sflag:$0x1] =	stream.indirect_vreg.gather [hbm4b:s7+s4], $0x80, v4, vm0, $0xb8;
	[tilespmem:$0x18D00] =	vst v63  }
0x44: {  	s26 =	simm.s32 $0x2500;
	v3 =	vperm.xlane v3, v2  }
0x45: {  	[tilespmem:s26], [sflag:$0x1] =	stream.indirect_vreg.gather [hbm4b:s8+s4], $0x80, v4, vm0, $0xb8;
	[tilespmem:$0x18D00] =	vst v63  }
0x46: {  	v3 =	vadd.s32 v1, v3;
	s28 =	simm.s32 $0x2D00  }
0x47: {  	[tilespmem:s28], [sflag:$0x1] =	stream.indirect_vreg.gather [hbm4b:s9+s4], $0x80, v4, vm0, $0xb8;
	[tilespmem:$0x18D00] =	vst v63  }
0x48: {  	s11 =	simm.s32 $0x3500  }
0x49: {  	[tilespmem:s11], [sflag:$0x1] =	stream.indirect_vreg.gather [hbm4b:s10+s4], $0x80, v4, vm0, $0xb8;
	[tilespmem:$0x18D00] =	vst v63  }
0x4a: {  	s15 =	simm.s32 $0x3D00  }
0x4b: {  	[tilespmem:s15], [sflag:$0x1] =	stream.indirect_vreg.gather [hbm4b:s1+s4], $0x80, v3, vm0, $0xb8;
	[tilespmem:$0x18D00] =	vst v63  }
0x4c: {  	s26 =	simm.s32 $0x4500  }
0x4d: {  	[tilespmem:s26], [sflag:$0x1] =	stream.indirect_vreg.gather [hbm4b:s6+s4], $0x80, v3, vm0, $0xb8;
	[tilespmem:$0x18D00] =	vst v63  }
0x4e: {  	s28 =	simm.s32 $0x4D00  }
0x4f: {  	[tilespmem:s28], [sflag:$0x1] =	stream.indirect_vreg.gather [hbm4b:s7+s4], $0x80, v3, vm0, $0xb8;
	[tilespmem:$0x18D00] =	vst v63  }
0x50: {  	s11 =	simm.s32 $0x5500  }
0x51: {  	[tilespmem:s11], [sflag:$0x1] =	stream.indirect_vreg.gather [hbm4b:s8+s4], $0x80, v3, vm0, $0xb8;
	[tilespmem:$0x18D00] =	vst v63  }
0x52: {  	s15 =	simm.s32 $0x5D00  }
0x53: {  	[tilespmem:s15], [sflag:$0x1] =	stream.indirect_vreg.gather [hbm4b:s9+s4], $0x80, v3, vm0, $0xb8;
	[tilespmem:$0x18D00] =	vst v63  }
0x54: {  	s26 =	simm.s32 $0x6500  }
0x55: {  	[tilespmem:s26], [sflag:$0x1] =	stream.indirect_vreg.gather [hbm4b:s10+s4], $0x80, v3, vm0, $0xb8;
	[tilespmem:$0x18D00] =	vst v63  }
0x56: {  	v3 =	vld [tilespmem:$0x10];
	_ =	sdelay $0x4  }
0x57: {  	v63 =	vshrl.u32 v3, $0x3  }
0x58: {  	v4 =	vmul.u32 $0x60, v63  }
0x59: {  	v3 =	vand.u32 $0x7, v3  }
0x5a: {  	v3 =	vor.u32 v3, v4  }
0x5b: {  	v4 =	vperm.xlane v3, v0;
	_ =	sdelay $0x1  }
0x5c: {  	v4 =	vadd.s32 v1, v4;
	_ =	sdelay $0x4  }
0x5d: {  	[tilespmem:s12], [sflag:$0x2] =	stream.indirect_vreg.gather [hbm4b:s1+s4], $0x80, v4, vm0, $0xb8;
	[tilespmem:$0x18D00] =	vst v63  }
0x5e: {  	s28 =	simm.s32 $0x7500  }
0x5f: {  	[tilespmem:s28], [sflag:$0x2] =	stream.indirect_vreg.gather [hbm4b:s6+s4], $0x80, v4, vm0, $0xb8;
	[tilespmem:$0x18D00] =	vst v63  }
0x60: {  	s11 =	simm.s32 $0x7D00  }
0x61: {  	[tilespmem:s11], [sflag:$0x2] =	stream.indirect_vreg.gather [hbm4b:s7+s4], $0x80, v4, vm0, $0xb8;
	[tilespmem:$0x18D00] =	vst v63  }
0x62: {  	v3 =	vperm.xlane v3, v2  }
0x63: {  	[tilespmem:s21], [sflag:$0x2] =	stream.indirect_vreg.gather [hbm4b:s8+s4], $0x80, v4, vm0, $0xb8;
	[tilespmem:$0x18D00] =	vst v63  }
0x64: {  	v3 =	vadd.s32 v1, v3;
	s12 =	simm.s32 $0x8D00  }
0x65: {  	[tilespmem:s12], [sflag:$0x2] =	stream.indirect_vreg.gather [hbm4b:s9+s4], $0x80, v4, vm0, $0xb8;
	[tilespmem:$0x18D00] =	vst v63  }
0x66: {  	s15 =	simm.s32 $0x9500  }
0x67: {  	[tilespmem:s15], [sflag:$0x2] =	stream.indirect_vreg.gather [hbm4b:s10+s4], $0x80, v4, vm0, $0xb8;
	[tilespmem:$0x18D00] =	vst v63  }
0x68: {  	_ = 	snop  }
0x69: {  	[tilespmem:s16], [sflag:$0x2] =	stream.indirect_vreg.gather [hbm4b:s1+s4], $0x80, v3, vm0, $0xb8;
	[tilespmem:$0x18D00] =	vst v63  }
0x6a: {  	s16 =	simm.s32 $0xA500  }
0x6b: {  	[tilespmem:s16], [sflag:$0x2] =	stream.indirect_vreg.gather [hbm4b:s6+s4], $0x80, v3, vm0, $0xb8;
	[tilespmem:$0x18D00] =	vst v63  }
0x6c: {  	s21 =	simm.s32 $0xAD00  }
0x6d: {  	[tilespmem:s21], [sflag:$0x2] =	stream.indirect_vreg.gather [hbm4b:s7+s4], $0x80, v3, vm0, $0xb8;
	[tilespmem:$0x18D00] =	vst v63  }
0x6e: {  	s30 =	simm.s32 $0x0;
	s31 =	simm.s32 $0x6D00;
	s26 =	simm.s32 $0xBD00  }
0x6f: {  	[tilespmem:s20], [sflag:$0x2] =	stream.indirect_vreg.gather [hbm4b:s8+s4], $0x80, v3, vm0, $0xb8;
	[tilespmem:$0x18D00] =	vst v63  }
0x70: {  	s28 =	simm.s32 $0xC500;
	s11 =	simm.s32 $0x30;
	s15 =	rddreg [dreg:$0x7]  }
0x71: {  	[tilespmem:s26], [sflag:$0x2] =	stream.indirect_vreg.gather [hbm4b:s9+s4], $0x80, v3, vm0, $0xb8;
	[tilespmem:$0x18D00] =	vst v63  }
0x72: {  	s16 =	simm.s32 $0x8500;
	s20 =	simm.s32 $0x9D00;
	s26 =	simm.s32 $0xB500  }
0x73: {  	[tilespmem:s28], [sflag:$0x2] =	stream.indirect_vreg.gather [hbm4b:s10+s4], $0x80, v3, vm0, $0xb8;
	[tilespmem:$0x18D00] =	vst v63  }
.LBB2_2:
0x74: {  	s0 =	rddreg [dreg:$0x6]  }
0x75: {  	s0 =	sadd.s32 s30, s0  }
0x76: {  	s21 =	sshrl.u32 s0, $0x8  }
0x77: {  	s21 =	smul.u32 $0x600000, s21  }
0x78: {  	s12 =	sand.u32 $0x1F8, s15  }
0x79: {  	s12 =	smul.u32 $0x300, s12;
	s21 =	sshrl.u32 s21, $0x3  }
0x7a: {  	_ =	swait.ge [sflag:s25], $0x6000;
	s21 =	sadd.s32 s3, s21  }
0x7b: {  	[sflag:s25] =	ssyncset.done $0x0;
	s12 =	sadd.s32 s12, s21  }
0x7c: {  	s28 =	simm.s32 $0xD00;
	[sflag:s25] =	ssyncadd.s32 $0xFFFFA000;
	s21 =	sadd.s32 $0xC0000, s12  }
0x7d: {  	[hbm4b:s21+s4] =	stream.linear.scatter [tilespmem:s28], [sflag:$0x5], $0x1800, $0x38;
	[tilespmem:$0x18D00] =	vst v63  }
0x7e: {  	s21 =	sadd.s32 $0x300, s21;
	s28 =	simm.s32 $0x3D00  }
0x7f: {  	[hbm4b:s21+s4] =	stream.linear.scatter [tilespmem:s28], [sflag:$0x5], $0x1800, $0x38;
	[tilespmem:$0x18D00] =	vst v63  }
0x80: {  	s12 =	sadd.s32 $0x120000, s12;
	s28 =	simm.s32 $0x2500  }
0x81: {  	[hbm4b:s12+s4] =	stream.linear.scatter [tilespmem:s28], [sflag:$0x5], $0x1800, $0x38;
	[tilespmem:$0x18D00] =	vst v63  }
0x82: {  	p0 =	seq.s32 s30, $0x0;
	s12 =	sadd.s32 $0x300, s12;
	s28 =	simm.s32 $0x5500  }
0x83: {  	[hbm4b:s12+s4] =	stream.linear.scatter [tilespmem:s28], [sflag:$0x5], $0x1800, $0x38;
	[tilespmem:$0x18D00] =	vst v63  }
0x84: {  	s12 =	simm.s32 @!p0 $0x7  }
0x85: {  	_ =	swait.ge @!p0 [sflag:s12], $0x3000  }
0x86: {  	[sflag:s12] =	ssyncset.done @!p0 $0x0  }
0x87: {  	[sflag:s12] =	ssyncadd.s32 @!p0 $0xFFFFD000  }
0x88: {  	_ =	swait.ge @!p0 [sflag:s12], $0x3000  }
0x89: {  	[sflag:s12] =	ssyncset.done @!p0 $0x0  }
0x8a: {  	[sflag:s12] =	ssyncadd.s32 @!p0 $0xFFFFD000  }
0x8b: {  	v3 =	vld [tilespmem:s11+$0xFFFFFFF0];
	_ =	sdelay $0x4  }
0x8c: {  	v4 =	vshrl.u32 v3, $0x3  }
0x8d: {  	v4 =	vmul.u32 $0x60, v4  }
0x8e: {  	v3 =	vand.u32 $0x7, v3  }
0x8f: {  	v3 =	vor.u32 v3, v4  }
0x90: {  	v4 =	vperm.xlane v3, v0;
	_ =	sdelay $0x1  }
0x91: {  	v4 =	vadd.s32 v1, v4;
	_ =	sdelay $0x3  }
0x92: {  	s28 =	simm.s32 $0xCD00  }
0x93: {  	[tilespmem:s28], [sflag:$0x3] =	stream.indirect_vreg.gather [hbm4b:s1+s4], $0x80, v4, vm0, $0xb8;
	[tilespmem:$0x18D00] =	vst v63  }
0x94: {  	s21 =	simm.s32 $0xD500  }
0x95: {  	[tilespmem:s21], [sflag:$0x3] =	stream.indirect_vreg.gather [hbm4b:s6+s4], $0x80, v4, vm0, $0xb8;
	[tilespmem:$0x18D00] =	vst v63  }
0x96: {  	s21 =	simm.s32 $0xDD00  }
0x97: {  	[tilespmem:s21], [sflag:$0x3] =	stream.indirect_vreg.gather [hbm4b:s7+s4], $0x80, v4, vm0, $0xb8;
	[tilespmem:$0x18D00] =	vst v63  }
0x98: {  	v3 =	vperm.xlane v3, v2  }
0x99: {  	[tilespmem:s13], [sflag:$0x3] =	stream.indirect_vreg.gather [hbm4b:s8+s4], $0x80, v4, vm0, $0xb8;
	[tilespmem:$0x18D00] =	vst v63  }
0x9a: {  	v3 =	vadd.s32 v1, v3;
	s21 =	simm.s32 $0xED00  }
0x9b: {  	[tilespmem:s21], [sflag:$0x3] =	stream.indirect_vreg.gather [hbm4b:s9+s4], $0x80, v4, vm0, $0xb8;
	[tilespmem:$0x18D00] =	vst v63  }
0x9c: {  	s21 =	simm.s32 $0xF500  }
0x9d: {  	[tilespmem:s21], [sflag:$0x3] =	stream.indirect_vreg.gather [hbm4b:s10+s4], $0x80, v4, vm0, $0xb8;
	[tilespmem:$0x18D00] =	vst v63  }
0x9e: {  	_ = 	snop  }
0x9f: {  	[tilespmem:s29], [sflag:$0x3] =	stream.indirect_vreg.gather [hbm4b:s1+s4], $0x80, v3, vm0, $0xb8;
	[tilespmem:$0x18D00] =	vst v63  }
0xa0: {  	s21 =	simm.s32 $0x10500  }
0xa1: {  	[tilespmem:s21], [sflag:$0x3] =	stream.indirect_vreg.gather [hbm4b:s6+s4], $0x80, v3, vm0, $0xb8;
	[tilespmem:$0x18D00] =	vst v63  }
0xa2: {  	s21 =	simm.s32 $0x10D00  }
0xa3: {  	[tilespmem:s21], [sflag:$0x3] =	stream.indirect_vreg.gather [hbm4b:s7+s4], $0x80, v3, vm0, $0xb8;
	[tilespmem:$0x18D00] =	vst v63  }
0xa4: {  	_ = 	snop  }
0xa5: {  	[tilespmem:s2], [sflag:$0x3] =	stream.indirect_vreg.gather [hbm4b:s8+s4], $0x80, v3, vm0, $0xb8;
	[tilespmem:$0x18D00] =	vst v63  }
0xa6: {  	s21 =	simm.s32 $0x11D00  }
0xa7: {  	[tilespmem:s21], [sflag:$0x3] =	stream.indirect_vreg.gather [hbm4b:s9+s4], $0x80, v3, vm0, $0xb8;
	[tilespmem:$0x18D00] =	vst v63  }
0xa8: {  	s21 =	simm.s32 $0x12500  }
0xa9: {  	[tilespmem:s21], [sflag:$0x3] =	stream.indirect_vreg.gather [hbm4b:s10+s4], $0x80, v3, vm0, $0xb8;
	[tilespmem:$0x18D00] =	vst v63  }
0xaa: {  	s21 =	sadd.s32 $0x1, s0  }
0xab: {  	s12 =	sshrl.u32 s21, $0x8  }
0xac: {  	s21 =	sadd.s32 $0x2, s15;
	s12 =	smul.u32 $0x600000, s12  }
0xad: {  	s21 =	sand.u32 $0x1FA, s21  }
0xae: {  	s21 =	smul.u32 $0x300, s21;
	s12 =	sshrl.u32 s12, $0x3  }
0xaf: {  	_ =	swait.ge [sflag:s17], $0x6000;
	s12 =	sadd.s32 s3, s12  }
0xb0: {  	[sflag:s17] =	ssyncset.done $0x0;
	s12 =	sadd.s32 s21, s12  }
0xb1: {  	[sflag:s17] =	ssyncadd.s32 $0xFFFFA000;
	s21 =	sadd.s32 $0xC0000, s12  }
0xb2: {  	[hbm4b:s21+s4] =	stream.linear.scatter [tilespmem:s31], [sflag:$0x6], $0x1800, $0x38;
	[tilespmem:$0x18D00] =	vst v63  }
0xb3: {  	s21 =	sadd.s32 $0x300, s21  }
0xb4: {  	[hbm4b:s21+s4] =	stream.linear.scatter [tilespmem:s20], [sflag:$0x6], $0x1800, $0x38;
	[tilespmem:$0x18D00] =	vst v63  }
0xb5: {  	s12 =	sadd.s32 $0x120000, s12  }
0xb6: {  	[hbm4b:s12+s4] =	stream.linear.scatter [tilespmem:s16], [sflag:$0x6], $0x1800, $0x38;
	[tilespmem:$0x18D00] =	vst v63  }
0xb7: {  	s12 =	sadd.s32 $0x300, s12  }
0xb8: {  	[hbm4b:s12+s4] =	stream.linear.scatter [tilespmem:s26], [sflag:$0x6], $0x1800, $0x38;
	[tilespmem:$0x18D00] =	vst v63  }
0xb9: {  	s12 =	simm.s32 @!p0 $0x8  }
0xba: {  	_ =	swait.ge @!p0 [sflag:s12], $0x3000  }
0xbb: {  	[sflag:s12] =	ssyncset.done @!p0 $0x0  }
0xbc: {  	[sflag:s12] =	ssyncadd.s32 @!p0 $0xFFFFD000  }
0xbd: {  	_ =	swait.ge @!p0 [sflag:s12], $0x3000  }
0xbe: {  	[sflag:s12] =	ssyncset.done @!p0 $0x0  }
0xbf: {  	[sflag:s12] =	ssyncadd.s32 @!p0 $0xFFFFD000  }
0xc0: {  	v3 =	vld [tilespmem:s11+$0x0];
	_ =	sdelay $0x4  }
0xc1: {  	v63 =	vshrl.u32 v3, $0x3  }
0xc2: {  	v4 =	vmul.u32 $0x60, v63  }
0xc3: {  	v3 =	vand.u32 $0x7, v3  }
0xc4: {  	v3 =	vor.u32 v3, v4  }
0xc5: {  	v4 =	vperm.xlane v3, v0;
	_ =	sdelay $0x1  }
0xc6: {  	v4 =	vadd.s32 v1, v4;
	_ =	sdelay $0x4  }
0xc7: {  	[tilespmem:s19], [sflag:$0x4] =	stream.indirect_vreg.gather [hbm4b:s1+s4], $0x80, v4, vm0, $0xb8;
	[tilespmem:$0x18D00] =	vst v63  }
0xc8: {  	s31 =	simm.s32 $0x13500  }
0xc9: {  	[tilespmem:s31], [sflag:$0x4] =	stream.indirect_vreg.gather [hbm4b:s6+s4], $0x80, v4, vm0, $0xb8;
	[tilespmem:$0x18D00] =	vst v63  }
0xca: {  	s16 =	simm.s32 $0x13D00  }
0xcb: {  	[tilespmem:s16], [sflag:$0x4] =	stream.indirect_vreg.gather [hbm4b:s7+s4], $0x80, v4, vm0, $0xb8;
	[tilespmem:$0x18D00] =	vst v63  }
0xcc: {  	v3 =	vperm.xlane v3, v2  }
0xcd: {  	[tilespmem:s23], [sflag:$0x4] =	stream.indirect_vreg.gather [hbm4b:s8+s4], $0x80, v4, vm0, $0xb8;
	[tilespmem:$0x18D00] =	vst v63  }
0xce: {  	s20 =	simm.s32 $0x14D00;
	v3 =	vadd.s32 v1, v3  }
0xcf: {  	[tilespmem:s20], [sflag:$0x4] =	stream.indirect_vreg.gather [hbm4b:s9+s4], $0x80, v4, vm0, $0xb8;
	[tilespmem:$0x18D00] =	vst v63  }
0xd0: {  	s21 =	simm.s32 $0x15500  }
0xd1: {  	[tilespmem:s21], [sflag:$0x4] =	stream.indirect_vreg.gather [hbm4b:s10+s4], $0x80, v4, vm0, $0xb8;
	[tilespmem:$0x18D00] =	vst v63  }
0xd2: {  	_ = 	snop  }
0xd3: {  	[tilespmem:s14], [sflag:$0x4] =	stream.indirect_vreg.gather [hbm4b:s1+s4], $0x80, v3, vm0, $0xb8;
	[tilespmem:$0x18D00] =	vst v63  }
0xd4: {  	s26 =	simm.s32 $0x16500  }
0xd5: {  	[tilespmem:s26], [sflag:$0x4] =	stream.indirect_vreg.gather [hbm4b:s6+s4], $0x80, v3, vm0, $0xb8;
	[tilespmem:$0x18D00] =	vst v63  }
0xd6: {  	s31 =	simm.s32 $0x16D00;
	s21 =	sadd.s32 $0x2, s0  }
0xd7: {  	[tilespmem:s31], [sflag:$0x4] =	stream.indirect_vreg.gather [hbm4b:s7+s4], $0x80, v3, vm0, $0xb8;
	[tilespmem:$0x18D00] =	vst v63  }
0xd8: {  	s12 =	sshrl.u32 s21, $0x8;
	s26 =	sadd.s32 $0x4, s15  }
0xd9: {  	[tilespmem:s18], [sflag:$0x4] =	stream.indirect_vreg.gather [hbm4b:s8+s4], $0x80, v3, vm0, $0xb8;
	[tilespmem:$0x18D00] =	vst v63  }
0xda: {  	s16 =	simm.s32 $0x17D00;
	s12 =	smul.u32 $0x600000, s12;
	s21 =	sand.u32 $0x1FC, s26  }
0xdb: {  	[tilespmem:s16], [sflag:$0x4] =	stream.indirect_vreg.gather [hbm4b:s9+s4], $0x80, v3, vm0, $0xb8;
	[tilespmem:$0x18D00] =	vst v63  }
0xdc: {  	s20 =	simm.s32 $0x18500;
	s12 =	sshrl.u32 s12, $0x3;
	s21 =	smul.u32 $0x300, s21  }
0xdd: {  	[tilespmem:s20], [sflag:$0x4] =	stream.indirect_vreg.gather [hbm4b:s10+s4], $0x80, v3, vm0, $0xb8;
	[tilespmem:$0x18D00] =	vst v63  }
0xde: {  	s12 =	sadd.s32 s3, s12;
	_ =	swait.ge [sflag:s24], $0x6000  }
0xdf: {  	s12 =	sadd.s32 s21, s12;
	[sflag:s24] =	ssyncset.done $0x0  }
0xe0: {  	s21 =	sadd.s32 $0xC0000, s12;
	[sflag:s24] =	ssyncadd.s32 $0xFFFFA000  }
0xe1: {  	[hbm4b:s21+s4] =	stream.linear.scatter [tilespmem:s28], [sflag:$0x7], $0x1800, $0x38;
	[tilespmem:$0x18D00] =	vst v63  }
0xe2: {  	s21 =	sadd.s32 $0x300, s21  }
0xe3: {  	[hbm4b:s21+s4] =	stream.linear.scatter [tilespmem:s29], [sflag:$0x7], $0x1800, $0x38;
	[tilespmem:$0x18D00] =	vst v63  }
0xe4: {  	s12 =	sadd.s32 $0x120000, s12  }
0xe5: {  	[hbm4b:s12+s4] =	stream.linear.scatter [tilespmem:s13], [sflag:$0x7], $0x1800, $0x38;
	[tilespmem:$0x18D00] =	vst v63  }
0xe6: {  	p0 =	seq.s32 s30, $0xCC;
	s12 =	sadd.s32 $0x300, s12  }
0xe7: {  	[hbm4b:s12+s4] =	stream.linear.scatter [tilespmem:s2], [sflag:$0x7], $0x1800, $0x38;
	[tilespmem:$0x18D00] =	vst v63  }
0xe8: {  	s12 =	simm.s32 @!p0 $0x5  }
0xe9: {  	_ =	swait.ge @!p0 [sflag:s12], $0x3000  }
0xea: {  	[sflag:s12] =	ssyncset.done @!p0 $0x0  }
0xeb: {  	[sflag:s12] =	ssyncadd.s32 @!p0 $0xFFFFD000  }
0xec: {  	_ =	swait.ge @!p0 [sflag:s12], $0x3000  }
0xed: {  	[sflag:s12] =	ssyncset.done @!p0 $0x0  }
0xee: {  	[sflag:s12] =	ssyncadd.s32 @!p0 $0xFFFFD000  }
0xef: {  	v3 =	vld @!p0 [tilespmem:s11+$0x10];
	_ =	sdelay $0x4  }
0xf0: {  	v4 =	vshrl.u32 @!p0 v3, $0x3  }
0xf1: {  	v4 =	vmul.u32 @!p0 $0x60, v4  }
0xf2: {  	v5 =	vlaneseq.u32 @!p0;
	v3 =	vand.u32 @!p0 $0x7, v3  }
0xf3: {  	v6 =	vshrl.u32 @!p0 v5, $0x3;
	v3 =	vor.u32 @!p0 v3, v4;
	v4 =	vand.u32 @!p0 $0x7, v5  }
0xf4: {  	v6 =	vmul.u32 @!p0 $0x8, v6;
	v4 =	vperm.xlane @!p0 v3, v4;
	_ =	sdelay $0x1  }
0xf5: {  	v4 =	vadd.s32 @!p0 v6, v4;
	_ =	sdelay $0x3  }
0xf6: {  	vm1 =	vmmov @!p0 $0xffff;
	s21 =	simm.s32 @!p0 $0xD00;
	s12 =	simm.s32 @!p0 $0x0  }
0xf7: {  	[tilespmem:s21], [sflag:$0x1] =	stream.indirect_vreg.gather @!p0 [hbm4b:s1+s12], $0x80, v4, vm1, $0xb8;
	[tilespmem:$0x18D00] =	vst v63  }
0xf8: {  	s21 =	simm.s32 @!p0 $0x1500  }
0xf9: {  	[tilespmem:s21], [sflag:$0x1] =	stream.indirect_vreg.gather @!p0 [hbm4b:s6+s12], $0x80, v4, vm1, $0xb8;
	[tilespmem:$0x18D00] =	vst v63  }
0xfa: {  	s21 =	simm.s32 @!p0 $0x1D00  }
0xfb: {  	v5 =	vor.u32 @!p0 $0x8, v5;
	[tilespmem:s21], [sflag:$0x1] =	stream.indirect_vreg.gather @!p0 [hbm4b:s7+s12], $0x80, v4, vm1, $0xb8;
	[tilespmem:$0x18D00] =	vst v63  }
0xfc: {  	v3 =	vperm.xlane @!p0 v3, v5;
	s21 =	simm.s32 @!p0 $0x2500  }
0xfd: {  	[tilespmem:s21], [sflag:$0x1] =	stream.indirect_vreg.gather @!p0 [hbm4b:s8+s12], $0x80, v4, vm1, $0xb8;
	[tilespmem:$0x18D00] =	vst v63  }
0xfe: {  	v3 =	vadd.s32 @!p0 v6, v3;
	s21 =	simm.s32 @!p0 $0x2D00  }
0xff: {  	[tilespmem:s21], [sflag:$0x1] =	stream.indirect_vreg.gather @!p0 [hbm4b:s9+s12], $0x80, v4, vm1, $0xb8;
	[tilespmem:$0x18D00] =	vst v63  }
0x100: {  	s21 =	simm.s32 @!p0 $0x3500  }
0x101: {  	[tilespmem:s21], [sflag:$0x1] =	stream.indirect_vreg.gather @!p0 [hbm4b:s10+s12], $0x80, v4, vm1, $0xb8;
	[tilespmem:$0x18D00] =	vst v63  }
0x102: {  	s21 =	simm.s32 @!p0 $0x3D00  }
0x103: {  	[tilespmem:s21], [sflag:$0x1] =	stream.indirect_vreg.gather @!p0 [hbm4b:s1+s12], $0x80, v3, vm1, $0xb8;
	[tilespmem:$0x18D00] =	vst v63  }
0x104: {  	s21 =	simm.s32 @!p0 $0x4500  }
0x105: {  	[tilespmem:s21], [sflag:$0x1] =	stream.indirect_vreg.gather @!p0 [hbm4b:s6+s12], $0x80, v3, vm1, $0xb8;
	[tilespmem:$0x18D00] =	vst v63  }
0x106: {  	s21 =	simm.s32 @!p0 $0x4D00  }
0x107: {  	[tilespmem:s21], [sflag:$0x1] =	stream.indirect_vreg.gather @!p0 [hbm4b:s7+s12], $0x80, v3, vm1, $0xb8;
	[tilespmem:$0x18D00] =	vst v63  }
0x108: {  	s0 =	sadd.s32 $0x3, s0;
	s21 =	simm.s32 @!p0 $0x5500  }
0x109: {  	[tilespmem:s21], [sflag:$0x1] =	stream.indirect_vreg.gather @!p0 [hbm4b:s8+s12], $0x80, v3, vm1, $0xb8;
	[tilespmem:$0x18D00] =	vst v63  }
0x10a: {  	s0 =	sshrl.u32 s0, $0x8;
	s21 =	simm.s32 @!p0 $0x5D00  }
0x10b: {  	[tilespmem:s21], [sflag:$0x1] =	stream.indirect_vreg.gather @!p0 [hbm4b:s9+s12], $0x80, v3, vm1, $0xb8;
	[tilespmem:$0x18D00] =	vst v63  }
0x10c: {  	s0 =	smul.u32 $0x600000, s0;
	s31 =	sadd.s32 $0x6, s15;
	s21 =	simm.s32 @!p0 $0x6500  }
0x10d: {  	[tilespmem:s21], [sflag:$0x1] =	stream.indirect_vreg.gather @!p0 [hbm4b:s10+s12], $0x80, v3, vm1, $0xb8;
	[tilespmem:$0x18D00] =	vst v63  }
0x10e: {  	s12 =	sand.u32 $0x1FE, s31  }
0x10f: {  	s0 =	sshrl.u32 s0, $0x3;
	s12 =	smul.u32 $0x300, s12  }
0x110: {  	s0 =	sadd.s32 s3, s0;
	_ =	swait.ge [sflag:s22], $0x6000  }
0x111: {  	[sflag:s22] =	ssyncset.done $0x0;
	s0 =	sadd.s32 s12, s0  }
0x112: {  	[sflag:s22] =	ssyncadd.s32 $0xFFFFA000;
	s12 =	sadd.s32 $0xC0000, s0  }
0x113: {  	[hbm4b:s12+s4] =	stream.linear.scatter [tilespmem:s19], [sflag:$0x8], $0x1800, $0x38;
	[tilespmem:$0x18D00] =	vst v63  }
0x114: {  	s12 =	sadd.s32 $0x300, s12  }
0x115: {  	[hbm4b:s12+s4] =	stream.linear.scatter [tilespmem:s14], [sflag:$0x8], $0x1800, $0x38;
	[tilespmem:$0x18D00] =	vst v63  }
.Ltmp2:
0x116: {  	_ = 	snop;
	(pc) =	sbr.rel @p0 .LBB2_4-.Ltmp2, $4  }
0x117: {  	s16 =	simm.s32 $0x9D00;
	s20 =	simm.s32 $0xB500;
	s0 =	sadd.s32 $0x120000, s0  }
0x118: {  	[hbm4b:s0+s4] =	stream.linear.scatter [tilespmem:s23], [sflag:$0x8], $0x1800, $0x38;
	[tilespmem:$0x18D00] =	vst v63  }
0x119: {  	s21 =	simm.s32 $0x8500;
	s12 =	simm.s32 $0x6D00;
	s0 =	sadd.s32 $0x300, s0  }
0x11a: {  	[hbm4b:s0+s4] =	stream.linear.scatter [tilespmem:s18], [sflag:$0x8], $0x1800, $0x38;
	[tilespmem:$0x18D00] =	vst v63  }
0x11b: {  	_ =	swait.ge [sflag:s5], $0x3000  }
0x11c: {  	[sflag:s5] =	ssyncset.done $0x0  }
0x11d: {  	[sflag:s5] =	ssyncadd.s32 $0xFFFFD000  }
0x11e: {  	_ =	swait.ge [sflag:s5], $0x3000  }
0x11f: {  	[sflag:s5] =	ssyncset.done $0x0  }
0x120: {  	[sflag:s5] =	ssyncadd.s32 $0xFFFFD000  }
0x121: {  	v3 =	vld [tilespmem:s11+$0x20];
	_ =	sdelay $0x4  }
0x122: {  	v4 =	vshrl.u32 v3, $0x3  }
0x123: {  	v4 =	vmul.u32 $0x60, v4  }
0x124: {  	v3 =	vand.u32 $0x7, v3  }
0x125: {  	v3 =	vor.u32 v3, v4  }
0x126: {  	v4 =	vperm.xlane v3, v0;
	_ =	sdelay $0x1  }
0x127: {  	v4 =	vadd.s32 v1, v4;
	_ =	sdelay $0x4  }
0x128: {  	[tilespmem:s12], [sflag:$0x2] =	stream.indirect_vreg.gather [hbm4b:s1+s4], $0x80, v4, vm0, $0xb8;
	[tilespmem:$0x18D00] =	vst v63  }
0x129: {  	s0 =	simm.s32 $0x7500  }
0x12a: {  	[tilespmem:s0], [sflag:$0x2] =	stream.indirect_vreg.gather [hbm4b:s6+s4], $0x80, v4, vm0, $0xb8;
	[tilespmem:$0x18D00] =	vst v63  }
0x12b: {  	s26 =	simm.s32 $0x7D00  }
0x12c: {  	[tilespmem:s26], [sflag:$0x2] =	stream.indirect_vreg.gather [hbm4b:s7+s4], $0x80, v4, vm0, $0xb8;
	[tilespmem:$0x18D00] =	vst v63  }
0x12d: {  	v3 =	vperm.xlane v3, v2  }
0x12e: {  	[tilespmem:s21], [sflag:$0x2] =	stream.indirect_vreg.gather [hbm4b:s8+s4], $0x80, v4, vm0, $0xb8;
	[tilespmem:$0x18D00] =	vst v63  }
0x12f: {  	s28 =	simm.s32 $0x8D00;
	v3 =	vadd.s32 v1, v3  }
0x130: {  	[tilespmem:s28], [sflag:$0x2] =	stream.indirect_vreg.gather [hbm4b:s9+s4], $0x80, v4, vm0, $0xb8;
	[tilespmem:$0x18D00] =	vst v63  }
0x131: {  	s12 =	simm.s32 $0x9500  }
0x132: {  	[tilespmem:s12], [sflag:$0x2] =	stream.indirect_vreg.gather [hbm4b:s10+s4], $0x80, v4, vm0, $0xb8;
	[tilespmem:$0x18D00] =	vst v63  }
0x133: {  	_ = 	snop  }
0x134: {  	[tilespmem:s16], [sflag:$0x2] =	stream.indirect_vreg.gather [hbm4b:s1+s4], $0x80, v3, vm0, $0xb8;
	[tilespmem:$0x18D00] =	vst v63  }
0x135: {  	s16 =	simm.s32 $0xA500  }
0x136: {  	[tilespmem:s16], [sflag:$0x2] =	stream.indirect_vreg.gather [hbm4b:s6+s4], $0x80, v3, vm0, $0xb8;
	[tilespmem:$0x18D00] =	vst v63  }
0x137: {  	s21 =	simm.s32 $0xAD00  }
0x138: {  	[tilespmem:s21], [sflag:$0x2] =	stream.indirect_vreg.gather [hbm4b:s7+s4], $0x80, v3, vm0, $0xb8;
	[tilespmem:$0x18D00] =	vst v63  }
0x139: {  	s30 =	sadd.s32 $0x4, s30  }
0x13a: {  	[tilespmem:s20], [sflag:$0x2] =	stream.indirect_vreg.gather [hbm4b:s8+s4], $0x80, v3, vm0, $0xb8;
	[tilespmem:$0x18D00] =	vst v63  }
.Ltmp3:
0x13b: {  	s15 =	sadd.s32 $0x8, s15;
	s31 =	simm.s32 $0x6D00;
	(pc) =	sbr.rel .LBB2_2-.Ltmp3, $4  }
0x13c: {  	s11 =	sadd.s32 $0x40, s11;
	s26 =	simm.s32 $0xBD00;
	s28 =	simm.s32 $0xC500  }
0x13d: {  	[tilespmem:s26], [sflag:$0x2] =	stream.indirect_vreg.gather [hbm4b:s9+s4], $0x80, v3, vm0, $0xb8;
	[tilespmem:$0x18D00] =	vst v63  }
0x13e: {  	s16 =	simm.s32 $0x8500;
	s20 =	simm.s32 $0x9D00;
	s26 =	simm.s32 $0xB500  }
0x13f: {  	[tilespmem:s28], [sflag:$0x2] =	stream.indirect_vreg.gather [hbm4b:s10+s4], $0x80, v3, vm0, $0xb8;
	[tilespmem:$0x18D00] =	vst v63  }
.LBB2_5:
0x140: {  	_ =	sfence.sel $0x180000  }
0x141: {  	[bflag:$0x0] =	sbarrier.arrive $0xFFFF  }
0x142: {  	_ =	strace $0x90000047  }
0x143: {  	s0 =	stileid.u32;
	[bflag:$0x2] =	sbarrier.arrive $0xFFFF  }
0x144: {  	p0 =	sne.s32 s0, $0x0;
	s0 =	rddreg [dreg:$0x3]  }
0x145: {  	s0 =	sadd.s32 @!p0 $0x100000, s0  }
0x146: {  	[sflag:s0] =	ssyncadd.tile.s32 @!p0 $0x1;
	_ =	shalt  }
.Lfunc_end2:
_tile_overlayer_lowered:
.L_overlay_start_2:
0x147: {  	(tag) =	ssettag $0x2  }
0x148: {  	s0 =	rddreg [dreg:$0x0];
	s2 =	stileid.u32  }
0x149: {  	s1 =	rddreg [dreg:$0x1];
	p0 =	sne.s32 s2, $0x0  }
0x14a: {  	s3 =	rddreg [dreg:$0x2];
	[bflag:$0x3] =	sbarrier.arrive $0xFFFF;
	s2 =	simm.s32 @!p0 $0x1C09  }
0x14b: {  	[timem:s3], [sflag:s2] =	dma.local @!p0 [hbm:s0], s1  }
0x14c: {  	s0 =	simm.s32 @!p0 $0x9  }
0x14d: {  	_ =	swait.ge @!p0 [sflag:s0], s1  }
0x14e: {  	s1 =	ssub.s32 @!p0 $0x0, s1;
	[sflag:s0] =	ssyncset.done @!p0 $0x0  }
0x14f: {  	[sflag:s0] =	ssyncadd.s32 @!p0 s1  }
0x150: {  	[bflag:$0x3] =	sbarrier.arrive $0xFFFF  }
0x151: {  	_ =	shalt  }

</sc_bundles>
